<compile_context>
chip_gen: v7x
topology: tpu7x:2x2x1
jax: 0.10.2.dev20260603
libtpu: 0.0.44.dev20260713+nightly
codegen_flags: <defaults>
</compile_context>

<pallas_src>
import functools

import jax
import jax.numpy as jnp
from jax import lax
from jax.experimental import pallas as pl
from jax.experimental.pallas import tpu as pltpu
from jax.experimental.pallas import tpu_sc as plsc

N_CLS = 8
N_PRE = 5
N_SUF = 64
SEQ = 77
SEQ_PAD = 80
D = 512
CPB = 40
HB = 64


def _sc_counts():
    try:
        info = plsc.get_sparse_core_info()
        return int(info.num_cores), int(info.num_subcores)
    except Exception:
        return 2, 16


def _build_ftabt(token_prefix, cls_ctx, token_suffix):
    n_cls_total = cls_ctx.shape[0]

    def body(p_ref, c_ref, s_ref, o_ref):
        p = p_ref[0]
        o_ref[0:N_PRE] = jnp.broadcast_to(p[:, None, :], (N_PRE, CPB, D))
        o_ref[N_PRE:N_PRE + N_CLS] = jnp.swapaxes(c_ref[...], 0, 1)
        o_ref[N_PRE + N_CLS:SEQ] = jnp.swapaxes(s_ref[...], 0, 1)
        o_ref[SEQ:SEQ_PAD] = jnp.zeros((SEQ_PAD - SEQ, CPB, D), jnp.float32)

    return pl.pallas_call(
        body,
        grid=(n_cls_total // CPB,),
        in_specs=[
            pl.BlockSpec((1, N_PRE, D), lambda i: (0, 0, 0)),
            pl.BlockSpec((CPB, N_CLS, D), lambda i: (i, 0, 0)),
            pl.BlockSpec((CPB, N_SUF, D), lambda i: (i, 0, 0)),
        ],
        out_specs=pl.BlockSpec((SEQ_PAD, CPB, D), lambda i: (0, i, 0)),
        out_shape=jax.ShapeDtypeStruct((SEQ_PAD, n_cls_total, D), jnp.float32),
    )(token_prefix, cls_ctx, token_suffix)


def kernel(label, cls_ctx, token_prefix, token_suffix):
    B = label.shape[0]
    NC, NS = _sc_counts()
    NW = NC * NS
    bw = B // NW
    n_cls_total = cls_ctx.shape[0]

    ftabt = _build_ftabt(token_prefix, cls_ctx, token_suffix)
    flat = ftabt.reshape(SEQ_PAD * n_cls_total, D)
    lab = label.astype(jnp.int32)

    s_col = jnp.arange(SEQ, dtype=jnp.int32)[None, :, None]
    labw = lab.reshape(NW, 1, bw)
    idx_flat = (s_col * n_cls_total + labw).reshape(-1)

    mesh = plsc.VectorSubcoreMesh(core_axis_name="c", subcore_axis_name="s")

    @functools.partial(
        pl.kernel,
        mesh=mesh,
        out_type=jax.ShapeDtypeStruct((SEQ, B, D), jnp.float32),
        scratch_types=[
            pltpu.VMEM((SEQ * bw,), jnp.int32),
            pltpu.VMEM((3, HB, D), jnp.float32),
            pltpu.SemaphoreType.DMA,
            pltpu.SemaphoreType.DMA,
            pltpu.SemaphoreType.DMA,
            pltpu.SemaphoreType.DMA,
            pltpu.SemaphoreType.DMA,
            pltpu.SemaphoreType.DMA,
        ],
    )
    def _gather(flat_hbm, idx_hbm, out_hbm, idx_v, buf,
                g0, g1, g2, w0, w1, w2):
        wid = lax.axis_index("s") * NC + lax.axis_index("c")
        base = wid * bw
        pltpu.sync_copy(idx_hbm.at[pl.ds(base * SEQ, SEQ * bw)], idx_v)
        gsem = (g0, g1, g2)
        wsem = (w0, w1, w2)
        NSTEP = 2 * SEQ

        def fire_gather(s, h, st):
            pltpu.async_copy(
                flat_hbm.at[idx_v.at[pl.ds(s * bw + HB * h, HB)]],
                buf.at[st], gsem[st])

        def step(s, h, st):
            pltpu.make_async_copy(
                flat_hbm.at[pl.ds(0, HB)], buf.at[st], gsem[st]).wait()
            pltpu.async_copy(
                buf.at[st], out_hbm.at[s, pl.ds(base + HB * h, HB)],
                wsem[st])
            pltpu.make_async_copy(
                buf.at[st], out_hbm.at[0, pl.ds(0, HB)], wsem[st]).wait()

        for t in range(3):
            fire_gather(t // 2, t % 2, t % 3)

        def body(k, carry):
            for i in range(6):
                t_s = 3 * k + (i // 2)
                step(t_s, i % 2, i % 3)
                nxt = i + 3
                fire_gather(3 * k + nxt // 2, nxt % 2, i % 3)
            return carry

        lax.fori_loop(0, (NSTEP - 4) // 6, body, 0)
        for t in range(NSTEP - 4, NSTEP):
            step(t // 2, t % 2, t % 3)
            if t + 3 < NSTEP:
                fire_gather((t + 3) // 2, (t + 3) % 2, t % 3)

    res = _gather(flat, idx_flat)
    return jnp.transpose(res, (1, 0, 2))

# --- scband reference (transcript-rebuilt; emitter-appended) ---
"""Pipeline reference for scband-prompt-learner-44255343018602 (READ-ONLY COPY).

The authoritative reference and input builder live on the scoring server;
editing this copy changes nothing except your own understanding.
"""

import jax, jax.numpy as jnp
import numpy as np

NUM_CLASSES = 1000
N_CLS_CTX = 8
N_CTX = 4
CTX_DIM = 512
SEQ = 77
B = 4096


def setup_inputs(seed: int = 0) -> dict:
    key = jax.random.key(seed)
    k1, k2, k3, k4 = jax.random.split(key, 4)
    label = jax.random.randint(k1, (B,), 0, NUM_CLASSES, dtype=jnp.int64) if jax.config.read('jax_enable_x64') else jax.random.randint(k1, (B,), 0, NUM_CLASSES)
    cls_ctx = jax.random.normal(k2, (NUM_CLASSES, N_CLS_CTX, CTX_DIM), dtype=jnp.float32) * 0.02
    token_prefix = jax.random.normal(k3, (1, N_CTX + 1, CTX_DIM), dtype=jnp.float32)
    token_suffix = jax.random.normal(k4, (NUM_CLASSES, SEQ - (N_CTX + 1 + N_CLS_CTX), CTX_DIM), dtype=jnp.float32)
    return {"label": label, "cls_ctx": cls_ctx, "token_prefix": token_prefix, "token_suffix": token_suffix}


def reference(label, cls_ctx, token_prefix, token_suffix):
    # cls_ctx[label] -> gather of learned class-specific context vectors
    cc = jnp.take(cls_ctx, label, axis=0)            # [B, n_cls_ctx, ctx_dim]
    b = label.shape[0]
    prefix = jnp.broadcast_to(token_prefix, (b, token_prefix.shape[1], token_prefix.shape[2]))  # [B, n_ctx+1, ctx_dim]
    suffix = jnp.take(token_suffix, label, axis=0)   # [B, seq - n_ctx - 1 - n_cls_ctx, ctx_dim]
    prompts = jnp.concatenate([prefix, cc, suffix], axis=1)  # [B, 77, ctx_dim]
    return prompts

if __name__ == "__main__":
    import jax
    _d = setup_inputs()
    print(jax.jit(kernel)(*tuple(_d.values())))

</pallas_src>

<mosaic_0001>
#map = affine_map<(d0, d1) -> (0, 0)>
#map1 = affine_map<(d0, d1) -> (0)>
#map2 = affine_map<(d0, d1) -> (0, 0, 0)>
module attributes {stable_mosaic.version = 14 : i64} {
  func.func @_gather(%arg0: i32, %arg1: i32, %arg2: memref<80000x512xf32, #tpu.memory_space<hbm>>, %arg3: memref<315392xi32, #tpu.memory_space<hbm>>, %arg4: memref<77x4096x512xf32, #tpu.memory_space<hbm>>, %arg5: memref<9856xi32, #tpu.memory_space<vmem>>, %arg6: memref<3x64x512xf32, #tpu.memory_space<vmem>>, %arg7: memref<!tpu.dma_semaphore, #tpu.memory_space<semaphore_mem>>, %arg8: memref<!tpu.dma_semaphore, #tpu.memory_space<semaphore_mem>>, %arg9: memref<!tpu.dma_semaphore, #tpu.memory_space<semaphore_mem>>, %arg10: memref<!tpu.dma_semaphore, #tpu.memory_space<semaphore_mem>>, %arg11: memref<!tpu.dma_semaphore, #tpu.memory_space<semaphore_mem>>, %arg12: memref<!tpu.dma_semaphore, #tpu.memory_space<semaphore_mem>>) attributes {dimension_semantics = [#tpu.dimension_semantics<core_parallel>, #tpu.dimension_semantics<subcore_parallel>], iteration_bounds = array<i64: 2, 16>, scalar_prefetch = 0 : i64, scratch_operands = 8 : i64, tpu.core_type = #tpu.core_type<sc_vector_subcore>, window_params = [{transform_indices = #map}, {transform_indices = #map1}, {transform_indices = #map2}]} {
    %mul3A = arith.constant 2 : i32
    %mul3A_0 = arith.muli %arg1, %mul3A : i32
    %add3A = arith.addi %mul3A_0, %arg0 : i32
    %mul3A_1 = arith.constant 128 : i32
    %mul3A_2 = arith.muli %add3A, %mul3A_1 : i32
    %mul3A_3 = arith.constant 77 : i32
    %mul3A_4 = arith.muli %mul3A_2, %mul3A_3 : i32
    "tpu.region"() ({
      %run_scoped3A = tpu.sem_alloc : memref<!tpu.dma_semaphore, #tpu.memory_space<semaphore_mem>>
      %dma_start3A_252 = tpu.memref_slice %arg3[%mul3A_4] : memref<315392xi32, #tpu.memory_space<hbm>> -> memref<9856xi32, #tpu.memory_space<hbm>>
      %dma_start3A_253 = tpu.memref_slice %arg3[%mul3A_4] : memref<315392xi32, #tpu.memory_space<hbm>> -> memref<9856xi32, #tpu.memory_space<hbm>>
      tpu.enqueue_dma source(%dma_start3A_253 : memref<9856xi32, #tpu.memory_space<hbm>>) target(%arg5 : memref<9856xi32, #tpu.memory_space<vmem>>) target_semaphore(%run_scoped3A : memref<!tpu.dma_semaphore, #tpu.memory_space<semaphore_mem>>)
      %dma_wait3A_254 = tpu.memref_slice %arg3[%mul3A_4] : memref<315392xi32, #tpu.memory_space<hbm>> -> memref<9856xi32, #tpu.memory_space<hbm>>
      %dma_wait3A_255 = tpu.memref_slice %arg3[%mul3A_4] : memref<315392xi32, #tpu.memory_space<hbm>> -> memref<9856xi32, #tpu.memory_space<hbm>>
      tpu.wait_dma2 semaphore(%run_scoped3A : memref<!tpu.dma_semaphore, #tpu.memory_space<semaphore_mem>>) src(%dma_wait3A_255 : memref<9856xi32, #tpu.memory_space<hbm>>) dst(%arg5 : memref<9856xi32, #tpu.memory_space<vmem>>)
      tpu.yield
    }) : () -> ()
    %dma_start3A = arith.constant 0 : i32
    %dma_start3A_5 = arith.constant 0 : i32
    %dma_start3A_6 = arith.constant 0 : i32
    %dma_start3A_7 = tpu.memref_slice %arg6[%dma_start3A, %dma_start3A_5, %dma_start3A_6] : memref<3x64x512xf32, #tpu.memory_space<vmem>> -> memref<1x64x512xf32, #tpu.memory_space<vmem>>
    %dma_start3A_8 = tpu.memref_squeeze %dma_start3A_7 : memref<1x64x512xf32, #tpu.memory_space<vmem>> -> memref<64x512xf32, #tpu.memory_space<vmem>>
    %dma_start3A_9 = arith.constant 0 : i32
    %dma_start3A_10 = tpu.memref_slice %arg5[%dma_start3A_9] : memref<9856xi32, #tpu.memory_space<vmem>> -> memref<64xi32, #tpu.memory_space<vmem>>
    %dma_start3A_11 = arith.constant 0 : i32
    %dma_start3A_12 = arith.constant 0 : i32
    %dma_start3A_13 = tpu.memref_slice %arg2[%dma_start3A_11, %dma_start3A_12] : memref<80000x512xf32, #tpu.memory_space<hbm>> -> memref<80000x512xf32, #tpu.memory_space<hbm>>
    tpu.enqueue_indirect_dma source(%dma_start3A_13 : memref<80000x512xf32, #tpu.memory_space<hbm>>) target(%dma_start3A_8 : memref<64x512xf32, #tpu.memory_space<vmem>>) offsets(%dma_start3A_10 : memref<64xi32, #tpu.memory_space<vmem>>) semaphore(%arg7 : memref<!tpu.dma_semaphore, #tpu.memory_space<semaphore_mem>>)
    %dma_start3A_14 = arith.constant 1 : i32
    %dma_start3A_15 = arith.constant 0 : i32
    %dma_start3A_16 = arith.constant 0 : i32
    %dma_start3A_17 = tpu.memref_slice %arg6[%dma_start3A_14, %dma_start3A_15, %dma_start3A_16] : memref<3x64x512xf32, #tpu.memory_space<vmem>> -> memref<1x64x512xf32, #tpu.memory_space<vmem>>
    %dma_start3A_18 = tpu.memref_squeeze %dma_start3A_17 : memref<1x64x512xf32, #tpu.memory_space<vmem>> -> memref<64x512xf32, #tpu.memory_space<vmem>>
    %dma_start3A_19 = arith.constant 64 : i32
    %dma_start3A_20 = tpu.memref_slice %arg5[%dma_start3A_19] : memref<9856xi32, #tpu.memory_space<vmem>> -> memref<64xi32, #tpu.memory_space<vmem>>
    %dma_start3A_21 = arith.constant 0 : i32
    %dma_start3A_22 = arith.constant 0 : i32
    %dma_start3A_23 = tpu.memref_slice %arg2[%dma_start3A_21, %dma_start3A_22] : memref<80000x512xf32, #tpu.memory_space<hbm>> -> memref<80000x512xf32, #tpu.memory_space<hbm>>
    tpu.enqueue_indirect_dma source(%dma_start3A_23 : memref<80000x512xf32, #tpu.memory_space<hbm>>) target(%dma_start3A_18 : memref<64x512xf32, #tpu.memory_space<vmem>>) offsets(%dma_start3A_20 : memref<64xi32, #tpu.memory_space<vmem>>) semaphore(%arg8 : memref<!tpu.dma_semaphore, #tpu.memory_space<semaphore_mem>>)
    %dma_start3A_24 = arith.constant 2 : i32
    %dma_start3A_25 = arith.constant 0 : i32
    %dma_start3A_26 = arith.constant 0 : i32
    %dma_start3A_27 = tpu.memref_slice %arg6[%dma_start3A_24, %dma_start3A_25, %dma_start3A_26] : memref<3x64x512xf32, #tpu.memory_space<vmem>> -> memref<1x64x512xf32, #tpu.memory_space<vmem>>
    %dma_start3A_28 = tpu.memref_squeeze %dma_start3A_27 : memref<1x64x512xf32, #tpu.memory_space<vmem>> -> memref<64x512xf32, #tpu.memory_space<vmem>>
    %dma_start3A_29 = arith.constant 128 : i32
    %dma_start3A_30 = tpu.memref_slice %arg5[%dma_start3A_29] : memref<9856xi32, #tpu.memory_space<vmem>> -> memref<64xi32, #tpu.memory_space<vmem>>
    %dma_start3A_31 = arith.constant 0 : i32
    %dma_start3A_32 = arith.constant 0 : i32
    %dma_start3A_33 = tpu.memref_slice %arg2[%dma_start3A_31, %dma_start3A_32] : memref<80000x512xf32, #tpu.memory_space<hbm>> -> memref<80000x512xf32, #tpu.memory_space<hbm>>
    tpu.enqueue_indirect_dma source(%dma_start3A_33 : memref<80000x512xf32, #tpu.memory_space<hbm>>) target(%dma_start3A_28 : memref<64x512xf32, #tpu.memory_space<vmem>>) offsets(%dma_start3A_30 : memref<64xi32, #tpu.memory_space<vmem>>) semaphore(%arg9 : memref<!tpu.dma_semaphore, #tpu.memory_space<semaphore_mem>>)
    %scan3A = arith.constant 0 : i32
    %scan3A_34 = arith.constant 0 : i32
    %scan3A_35 = arith.constant 25 : i32
    %scan3A_36 = arith.addi %scan3A_34, %scan3A_35 : i32
    %scan3A_37 = arith.constant 1 : i32
    scf.for %scan3A_252 = %scan3A_34 to %scan3A_36 step %scan3A_37  : i32 {
      %mul3A_253 = arith.constant 3 : i32
      %mul3A_254 = arith.muli %mul3A_253, %scan3A_252 : i32
      %add3A_255 = arith.constant 0 : i32
      %add3A_256 = arith.addi %mul3A_254, %add3A_255 : i32
      %dma_wait3A_257 = arith.constant 0 : i32
      %dma_wait3A_258 = arith.constant 0 : i32
      %dma_wait3A_259 = arith.constant 0 : i32
      %dma_wait3A_260 = tpu.memref_slice %arg6[%dma_wait3A_257, %dma_wait3A_258, %dma_wait3A_259] : memref<3x64x512xf32, #tpu.memory_space<vmem>> -> memref<1x64x512xf32, #tpu.memory_space<vmem>>
      %dma_wait3A_261 = tpu.memref_squeeze %dma_wait3A_260 : memref<1x64x512xf32, #tpu.memory_space<vmem>> -> memref<64x512xf32, #tpu.memory_space<vmem>>
      %dma_wait3A_262 = arith.constant 0 : i32
      %dma_wait3A_263 = arith.constant 0 : i32
      %dma_wait3A_264 = tpu.memref_slice %arg2[%dma_wait3A_262, %dma_wait3A_263] : memref<80000x512xf32, #tpu.memory_space<hbm>> -> memref<64x512xf32, #tpu.memory_space<hbm>>
      %dma_wait3A_265 = arith.constant 0 : i32
      %dma_wait3A_266 = arith.constant 0 : i32
      %dma_wait3A_267 = tpu.memref_slice %arg6[%dma_wait3A_257, %dma_wait3A_265, %dma_wait3A_266] : memref<3x64x512xf32, #tpu.memory_space<vmem>> -> memref<1x64x512xf32, #tpu.memory_space<vmem>>
      %dma_wait3A_268 = tpu.memref_squeeze %dma_wait3A_267 : memref<1x64x512xf32, #tpu.memory_space<vmem>> -> memref<64x512xf32, #tpu.memory_space<vmem>>
      %dma_wait3A_269 = arith.constant 0 : i32
      %dma_wait3A_270 = arith.constant 0 : i32
      %dma_wait3A_271 = tpu.memref_slice %arg2[%dma_wait3A_269, %dma_wait3A_270] : memref<80000x512xf32, #tpu.memory_space<hbm>> -> memref<64x512xf32, #tpu.memory_space<hbm>>
      tpu.wait_dma2 semaphore(%arg7 : memref<!tpu.dma_semaphore, #tpu.memory_space<semaphore_mem>>) src(%dma_wait3A_271 : memref<64x512xf32, #tpu.memory_space<hbm>>) dst(%dma_wait3A_268 : memref<64x512xf32, #tpu.memory_space<vmem>>)
      %add3A_272 = arith.constant 0 : i32
      %add3A_273 = arith.addi %mul3A_2, %add3A_272 : i32
      %dma_start3A_274 = arith.constant 0 : i32
      %dma_start3A_275 = arith.constant 0 : i32
      %dma_start3A_276 = arith.constant 0 : i32
      %dma_start3A_277 = tpu.memref_slice %arg6[%dma_start3A_274, %dma_start3A_275, %dma_start3A_276] : memref<3x64x512xf32, #tpu.memory_space<vmem>> -> memref<1x64x512xf32, #tpu.memory_space<vmem>>
      %dma_start3A_278 = tpu.memref_squeeze %dma_start3A_277 : memref<1x64x512xf32, #tpu.memory_space<vmem>> -> memref<64x512xf32, #tpu.memory_space<vmem>>
      %dma_start3A_279 = arith.constant 0 : i32
      %dma_start3A_280 = tpu.memref_slice %arg4[%add3A_256, %add3A_273, %dma_start3A_279] : memref<77x4096x512xf32, #tpu.memory_space<hbm>> -> memref<1x64x512xf32, #tpu.memory_space<hbm>>
      %dma_start3A_281 = tpu.memref_squeeze %dma_start3A_280 : memref<1x64x512xf32, #tpu.memory_space<hbm>> -> memref<64x512xf32, #tpu.memory_space<hbm>>
      %dma_start3A_282 = arith.constant 0 : i32
      %dma_start3A_283 = tpu.memref_slice %arg4[%add3A_256, %add3A_273, %dma_start3A_282] : memref<77x4096x512xf32, #tpu.memory_space<hbm>> -> memref<1x64x512xf32, #tpu.memory_space<hbm>>
      %dma_start3A_284 = tpu.memref_squeeze %dma_start3A_283 : memref<1x64x512xf32, #tpu.memory_space<hbm>> -> memref<64x512xf32, #tpu.memory_space<hbm>>
      %dma_start3A_285 = arith.constant 0 : i32
      %dma_start3A_286 = arith.constant 0 : i32
      %dma_start3A_287 = tpu.memref_slice %arg6[%dma_start3A_274, %dma_start3A_285, %dma_start3A_286] : memref<3x64x512xf32, #tpu.memory_space<vmem>> -> memref<1x64x512xf32, #tpu.memory_space<vmem>>
      %dma_start3A_288 = tpu.memref_squeeze %dma_start3A_287 : memref<1x64x512xf32, #tpu.memory_space<vmem>> -> memref<64x512xf32, #tpu.memory_space<vmem>>
      tpu.enqueue_dma source(%dma_start3A_288 : memref<64x512xf32, #tpu.memory_space<vmem>>) target(%dma_start3A_284 : memref<64x512xf32, #tpu.memory_space<hbm>>) target_semaphore(%arg10 : memref<!tpu.dma_semaphore, #tpu.memory_space<semaphore_mem>>)
      %dma_wait3A_289 = arith.constant 0 : i32
      %dma_wait3A_290 = arith.constant 0 : i32
      %dma_wait3A_291 = arith.constant 0 : i32
      %dma_wait3A_292 = arith.constant 0 : i32
      %dma_wait3A_293 = tpu.memref_slice %arg6[%dma_wait3A_289, %dma_wait3A_291, %dma_wait3A_292] : memref<3x64x512xf32, #tpu.memory_space<vmem>> -> memref<1x64x512xf32, #tpu.memory_space<vmem>>
      %dma_wait3A_294 = tpu.memref_squeeze %dma_wait3A_293 : memref<1x64x512xf32, #tpu.memory_space<vmem>> -> memref<64x512xf32, #tpu.memory_space<vmem>>
      %dma_wait3A_295 = arith.constant 0 : i32
      %dma_wait3A_296 = arith.constant 0 : i32
      %dma_wait3A_297 = tpu.memref_slice %arg4[%dma_wait3A_290, %dma_wait3A_295, %dma_wait3A_296] : memref<77x4096x512xf32, #tpu.memory_space<hbm>> -> memref<1x64x512xf32, #tpu.memory_space<hbm>>
      %dma_wait3A_298 = tpu.memref_squeeze %dma_wait3A_297 : memref<1x64x512xf32, #tpu.memory_space<hbm>> -> memref<64x512xf32, #tpu.memory_space<hbm>>
      %dma_wait3A_299 = arith.constant 0 : i32
      %dma_wait3A_300 = arith.constant 0 : i32
      %dma_wait3A_301 = tpu.memref_slice %arg4[%dma_wait3A_290, %dma_wait3A_299, %dma_wait3A_300] : memref<77x4096x512xf32, #tpu.memory_space<hbm>> -> memref<1x64x512xf32, #tpu.memory_space<hbm>>
      %dma_wait3A_302 = tpu.memref_squeeze %dma_wait3A_301 : memref<1x64x512xf32, #tpu.memory_space<hbm>> -> memref<64x512xf32, #tpu.memory_space<hbm>>
      %dma_wait3A_303 = arith.constant 0 : i32
      %dma_wait3A_304 = arith.constant 0 : i32
      %dma_wait3A_305 = tpu.memref_slice %arg6[%dma_wait3A_289, %dma_wait3A_303, %dma_wait3A_304] : memref<3x64x512xf32, #tpu.memory_space<vmem>> -> memref<1x64x512xf32, #tpu.memory_space<vmem>>
      %dma_wait3A_306 = tpu.memref_squeeze %dma_wait3A_305 : memref<1x64x512xf32, #tpu.memory_space<vmem>> -> memref<64x512xf32, #tpu.memory_space<vmem>>
      tpu.wait_dma2 semaphore(%arg10 : memref<!tpu.dma_semaphore, #tpu.memory_space<semaphore_mem>>) src(%dma_wait3A_306 : memref<64x512xf32, #tpu.memory_space<vmem>>) dst(%dma_wait3A_302 : memref<64x512xf32, #tpu.memory_space<hbm>>)
      %mul3A_307 = arith.constant 3 : i32
      %mul3A_308 = arith.muli %mul3A_307, %scan3A_252 : i32
      %add3A_309 = arith.constant 1 : i32
      %add3A_310 = arith.addi %mul3A_308, %add3A_309 : i32
      %mul3A_311 = arith.constant 128 : i32
      %mul3A_312 = arith.muli %add3A_310, %mul3A_311 : i32
      %add3A_313 = arith.constant 64 : i32
      %add3A_314 = arith.addi %mul3A_312, %add3A_313 : i32
      %dma_start3A_315 = arith.constant 0 : i32
      %dma_start3A_316 = arith.constant 0 : i32
      %dma_start3A_317 = arith.constant 0 : i32
      %dma_start3A_318 = tpu.memref_slice %arg6[%dma_start3A_315, %dma_start3A_316, %dma_start3A_317] : memref<3x64x512xf32, #tpu.memory_space<vmem>> -> memref<1x64x512xf32, #tpu.memory_space<vmem>>
      %dma_start3A_319 = tpu.memref_squeeze %dma_start3A_318 : memref<1x64x512xf32, #tpu.memory_space<vmem>> -> memref<64x512xf32, #tpu.memory_space<vmem>>
      %dma_start3A_320 = tpu.memref_slice %arg5[%add3A_314] : memref<9856xi32, #tpu.memory_space<vmem>> -> memref<64xi32, #tpu.memory_space<vmem>>
      %dma_start3A_321 = arith.constant 0 : i32
      %dma_start3A_322 = arith.constant 0 : i32
      %dma_start3A_323 = tpu.memref_slice %arg2[%dma_start3A_321, %dma_start3A_322] : memref<80000x512xf32, #tpu.memory_space<hbm>> -> memref<80000x512xf32, #tpu.memory_space<hbm>>
      tpu.enqueue_indirect_dma source(%dma_start3A_323 : memref<80000x512xf32, #tpu.memory_space<hbm>>) target(%dma_start3A_319 : memref<64x512xf32, #tpu.memory_space<vmem>>) offsets(%dma_start3A_320 : memref<64xi32, #tpu.memory_space<vmem>>) semaphore(%arg7 : memref<!tpu.dma_semaphore, #tpu.memory_space<semaphore_mem>>)
      %mul3A_324 = arith.constant 3 : i32
      %mul3A_325 = arith.muli %mul3A_324, %scan3A_252 : i32
      %add3A_326 = arith.constant 0 : i32
      %add3A_327 = arith.addi %mul3A_325, %add3A_326 : i32
      %dma_wait3A_328 = arith.constant 1 : i32
      %dma_wait3A_329 = arith.constant 0 : i32
      %dma_wait3A_330 = arith.constant 0 : i32
      %dma_wait3A_331 = tpu.memref_slice %arg6[%dma_wait3A_328, %dma_wait3A_329, %dma_wait3A_330] : memref<3x64x512xf32, #tpu.memory_space<vmem>> -> memref<1x64x512xf32, #tpu.memory_space<vmem>>
      %dma_wait3A_332 = tpu.memref_squeeze %dma_wait3A_331 : memref<1x64x512xf32, #tpu.memory_space<vmem>> -> memref<64x512xf32, #tpu.memory_space<vmem>>
      %dma_wait3A_333 = arith.constant 0 : i32
      %dma_wait3A_334 = arith.constant 0 : i32
      %dma_wait3A_335 = tpu.memref_slice %arg2[%dma_wait3A_333, %dma_wait3A_334] : memref<80000x512xf32, #tpu.memory_space<hbm>> -> memref<64x512xf32, #tpu.memory_space<hbm>>
      %dma_wait3A_336 = arith.constant 0 : i32
      %dma_wait3A_337 = arith.constant 0 : i32
      %dma_wait3A_338 = tpu.memref_slice %arg6[%dma_wait3A_328, %dma_wait3A_336, %dma_wait3A_337] : memref<3x64x512xf32, #tpu.memory_space<vmem>> -> memref<1x64x512xf32, #tpu.memory_space<vmem>>
      %dma_wait3A_339 = tpu.memref_squeeze %dma_wait3A_338 : memref<1x64x512xf32, #tpu.memory_space<vmem>> -> memref<64x512xf32, #tpu.memory_space<vmem>>
      %dma_wait3A_340 = arith.constant 0 : i32
      %dma_wait3A_341 = arith.constant 0 : i32
      %dma_wait3A_342 = tpu.memref_slice %arg2[%dma_wait3A_340, %dma_wait3A_341] : memref<80000x512xf32, #tpu.memory_space<hbm>> -> memref<64x512xf32, #tpu.memory_space<hbm>>
      tpu.wait_dma2 semaphore(%arg8 : memref<!tpu.dma_semaphore, #tpu.memory_space<semaphore_mem>>) src(%dma_wait3A_342 : memref<64x512xf32, #tpu.memory_space<hbm>>) dst(%dma_wait3A_339 : memref<64x512xf32, #tpu.memory_space<vmem>>)
      %add3A_343 = arith.constant 64 : i32
      %add3A_344 = arith.addi %mul3A_2, %add3A_343 : i32
      %dma_start3A_345 = arith.constant 1 : i32
      %dma_start3A_346 = arith.constant 0 : i32
      %dma_start3A_347 = arith.constant 0 : i32
      %dma_start3A_348 = tpu.memref_slice %arg6[%dma_start3A_345, %dma_start3A_346, %dma_start3A_347] : memref<3x64x512xf32, #tpu.memory_space<vmem>> -> memref<1x64x512xf32, #tpu.memory_space<vmem>>
      %dma_start3A_349 = tpu.memref_squeeze %dma_start3A_348 : memref<1x64x512xf32, #tpu.memory_space<vmem>> -> memref<64x512xf32, #tpu.memory_space<vmem>>
      %dma_start3A_350 = arith.constant 0 : i32
      %dma_start3A_351 = tpu.memref_slice %arg4[%add3A_327, %add3A_344, %dma_start3A_350] : memref<77x4096x512xf32, #tpu.memory_space<hbm>> -> memref<1x64x512xf32, #tpu.memory_space<hbm>>
      %dma_start3A_352 = tpu.memref_squeeze %dma_start3A_351 : memref<1x64x512xf32, #tpu.memory_space<hbm>> -> memref<64x512xf32, #tpu.memory_space<hbm>>
      %dma_start3A_353 = arith.constant 0 : i32
      %dma_start3A_354 = tpu.memref_slice %arg4[%add3A_327, %add3A_344, %dma_start3A_353] : memref<77x4096x512xf32, #tpu.memory_space<hbm>> -> memref<1x64x512xf32, #tpu.memory_space<hbm>>
      %dma_start3A_355 = tpu.memref_squeeze %dma_start3A_354 : memref<1x64x512xf32, #tpu.memory_space<hbm>> -> memref<64x512xf32, #tpu.memory_space<hbm>>
      %dma_start3A_356 = arith.constant 0 : i32
      %dma_start3A_357 = arith.constant 0 : i32
      %dma_start3A_358 = tpu.memref_slice %arg6[%dma_start3A_345, %dma_start3A_356, %dma_start3A_357] : memref<3x64x512xf32, #tpu.memory_space<vmem>> -> memref<1x64x512xf32, #tpu.memory_space<vmem>>
      %dma_start3A_359 = tpu.memref_squeeze %dma_start3A_358 : memref<1x64x512xf32, #tpu.memory_space<vmem>> -> memref<64x512xf32, #tpu.memory_space<vmem>>
      tpu.enqueue_dma source(%dma_start3A_359 : memref<64x512xf32, #tpu.memory_space<vmem>>) target(%dma_start3A_355 : memref<64x512xf32, #tpu.memory_space<hbm>>) target_semaphore(%arg11 : memref<!tpu.dma_semaphore, #tpu.memory_space<semaphore_mem>>)
      %dma_wait3A_360 = arith.constant 1 : i32
      %dma_wait3A_361 = arith.constant 0 : i32
      %dma_wait3A_362 = arith.constant 0 : i32
      %dma_wait3A_363 = arith.constant 0 : i32
      %dma_wait3A_364 = tpu.memref_slice %arg6[%dma_wait3A_360, %dma_wait3A_362, %dma_wait3A_363] : memref<3x64x512xf32, #tpu.memory_space<vmem>> -> memref<1x64x512xf32, #tpu.memory_space<vmem>>
      %dma_wait3A_365 = tpu.memref_squeeze %dma_wait3A_364 : memref<1x64x512xf32, #tpu.memory_space<vmem>> -> memref<64x512xf32, #tpu.memory_space<vmem>>
      %dma_wait3A_366 = arith.constant 0 : i32
      %dma_wait3A_367 = arith.constant 0 : i32
      %dma_wait3A_368 = tpu.memref_slice %arg4[%dma_wait3A_361, %dma_wait3A_366, %dma_wait3A_367] : memref<77x4096x512xf32, #tpu.memory_space<hbm>> -> memref<1x64x512xf32, #tpu.memory_space<hbm>>
      %dma_wait3A_369 = tpu.memref_squeeze %dma_wait3A_368 : memref<1x64x512xf32, #tpu.memory_space<hbm>> -> memref<64x512xf32, #tpu.memory_space<hbm>>
      %dma_wait3A_370 = arith.constant 0 : i32
      %dma_wait3A_371 = arith.constant 0 : i32
      %dma_wait3A_372 = tpu.memref_slice %arg4[%dma_wait3A_361, %dma_wait3A_370, %dma_wait3A_371] : memref<77x4096x512xf32, #tpu.memory_space<hbm>> -> memref<1x64x512xf32, #tpu.memory_space<hbm>>
      %dma_wait3A_373 = tpu.memref_squeeze %dma_wait3A_372 : memref<1x64x512xf32, #tpu.memory_space<hbm>> -> memref<64x512xf32, #tpu.memory_space<hbm>>
      %dma_wait3A_374 = arith.constant 0 : i32
      %dma_wait3A_375 = arith.constant 0 : i32
      %dma_wait3A_376 = tpu.memref_slice %arg6[%dma_wait3A_360, %dma_wait3A_374, %dma_wait3A_375] : memref<3x64x512xf32, #tpu.memory_space<vmem>> -> memref<1x64x512xf32, #tpu.memory_space<vmem>>
      %dma_wait3A_377 = tpu.memref_squeeze %dma_wait3A_376 : memref<1x64x512xf32, #tpu.memory_space<vmem>> -> memref<64x512xf32, #tpu.memory_space<vmem>>
      tpu.wait_dma2 semaphore(%arg11 : memref<!tpu.dma_semaphore, #tpu.memory_space<semaphore_mem>>) src(%dma_wait3A_377 : memref<64x512xf32, #tpu.memory_space<vmem>>) dst(%dma_wait3A_373 : memref<64x512xf32, #tpu.memory_space<hbm>>)
      %mul3A_378 = arith.constant 3 : i32
      %mul3A_379 = arith.muli %mul3A_378, %scan3A_252 : i32
      %add3A_380 = arith.constant 2 : i32
      %add3A_381 = arith.addi %mul3A_379, %add3A_380 : i32
      %mul3A_382 = arith.constant 128 : i32
      %mul3A_383 = arith.muli %add3A_381, %mul3A_382 : i32
      %add3A_384 = arith.constant 0 : i32
      %add3A_385 = arith.addi %mul3A_383, %add3A_384 : i32
      %dma_start3A_386 = arith.constant 1 : i32
      %dma_start3A_387 = arith.constant 0 : i32
      %dma_start3A_388 = arith.constant 0 : i32
      %dma_start3A_389 = tpu.memref_slice %arg6[%dma_start3A_386, %dma_start3A_387, %dma_start3A_388] : memref<3x64x512xf32, #tpu.memory_space<vmem>> -> memref<1x64x512xf32, #tpu.memory_space<vmem>>
      %dma_start3A_390 = tpu.memref_squeeze %dma_start3A_389 : memref<1x64x512xf32, #tpu.memory_space<vmem>> -> memref<64x512xf32, #tpu.memory_space<vmem>>
      %dma_start3A_391 = tpu.memref_slice %arg5[%add3A_385] : memref<9856xi32, #tpu.memory_space<vmem>> -> memref<64xi32, #tpu.memory_space<vmem>>
      %dma_start3A_392 = arith.constant 0 : i32
      %dma_start3A_393 = arith.constant 0 : i32
      %dma_start3A_394 = tpu.memref_slice %arg2[%dma_start3A_392, %dma_start3A_393] : memref<80000x512xf32, #tpu.memory_space<hbm>> -> memref<80000x512xf32, #tpu.memory_space<hbm>>
      tpu.enqueue_indirect_dma source(%dma_start3A_394 : memref<80000x512xf32, #tpu.memory_space<hbm>>) target(%dma_start3A_390 : memref<64x512xf32, #tpu.memory_space<vmem>>) offsets(%dma_start3A_391 : memref<64xi32, #tpu.memory_space<vmem>>) semaphore(%arg8 : memref<!tpu.dma_semaphore, #tpu.memory_space<semaphore_mem>>)
      %mul3A_395 = arith.constant 3 : i32
      %mul3A_396 = arith.muli %mul3A_395, %scan3A_252 : i32
      %add3A_397 = arith.constant 1 : i32
      %add3A_398 = arith.addi %mul3A_396, %add3A_397 : i32
      %dma_wait3A_399 = arith.constant 2 : i32
      %dma_wait3A_400 = arith.constant 0 : i32
      %dma_wait3A_401 = arith.constant 0 : i32
      %dma_wait3A_402 = tpu.memref_slice %arg6[%dma_wait3A_399, %dma_wait3A_400, %dma_wait3A_401] : memref<3x64x512xf32, #tpu.memory_space<vmem>> -> memref<1x64x512xf32, #tpu.memory_space<vmem>>
      %dma_wait3A_403 = tpu.memref_squeeze %dma_wait3A_402 : memref<1x64x512xf32, #tpu.memory_space<vmem>> -> memref<64x512xf32, #tpu.memory_space<vmem>>
      %dma_wait3A_404 = arith.constant 0 : i32
      %dma_wait3A_405 = arith.constant 0 : i32
      %dma_wait3A_406 = tpu.memref_slice %arg2[%dma_wait3A_404, %dma_wait3A_405] : memref<80000x512xf32, #tpu.memory_space<hbm>> -> memref<64x512xf32, #tpu.memory_space<hbm>>
      %dma_wait3A_407 = arith.constant 0 : i32
      %dma_wait3A_408 = arith.constant 0 : i32
      %dma_wait3A_409 = tpu.memref_slice %arg6[%dma_wait3A_399, %dma_wait3A_407, %dma_wait3A_408] : memref<3x64x512xf32, #tpu.memory_space<vmem>> -> memref<1x64x512xf32, #tpu.memory_space<vmem>>
      %dma_wait3A_410 = tpu.memref_squeeze %dma_wait3A_409 : memref<1x64x512xf32, #tpu.memory_space<vmem>> -> memref<64x512xf32, #tpu.memory_space<vmem>>
      %dma_wait3A_411 = arith.constant 0 : i32
      %dma_wait3A_412 = arith.constant 0 : i32
      %dma_wait3A_413 = tpu.memref_slice %arg2[%dma_wait3A_411, %dma_wait3A_412] : memref<80000x512xf32, #tpu.memory_space<hbm>> -> memref<64x512xf32, #tpu.memory_space<hbm>>
      tpu.wait_dma2 semaphore(%arg9 : memref<!tpu.dma_semaphore, #tpu.memory_space<semaphore_mem>>) src(%dma_wait3A_413 : memref<64x512xf32, #tpu.memory_space<hbm>>) dst(%dma_wait3A_410 : memref<64x512xf32, #tpu.memory_space<vmem>>)
      %add3A_414 = arith.constant 0 : i32
      %add3A_415 = arith.addi %mul3A_2, %add3A_414 : i32
      %dma_start3A_416 = arith.constant 2 : i32
      %dma_start3A_417 = arith.constant 0 : i32
      %dma_start3A_418 = arith.constant 0 : i32
      %dma_start3A_419 = tpu.memref_slice %arg6[%dma_start3A_416, %dma_start3A_417, %dma_start3A_418] : memref<3x64x512xf32, #tpu.memory_space<vmem>> -> memref<1x64x512xf32, #tpu.memory_space<vmem>>
      %dma_start3A_420 = tpu.memref_squeeze %dma_start3A_419 : memref<1x64x512xf32, #tpu.memory_space<vmem>> -> memref<64x512xf32, #tpu.memory_space<vmem>>
      %dma_start3A_421 = arith.constant 0 : i32
      %dma_start3A_422 = tpu.memref_slice %arg4[%add3A_398, %add3A_415, %dma_start3A_421] : memref<77x4096x512xf32, #tpu.memory_space<hbm>> -> memref<1x64x512xf32, #tpu.memory_space<hbm>>
      %dma_start3A_423 = tpu.memref_squeeze %dma_start3A_422 : memref<1x64x512xf32, #tpu.memory_space<hbm>> -> memref<64x512xf32, #tpu.memory_space<hbm>>
      %dma_start3A_424 = arith.constant 0 : i32
      %dma_start3A_425 = tpu.memref_slice %arg4[%add3A_398, %add3A_415, %dma_start3A_424] : memref<77x4096x512xf32, #tpu.memory_space<hbm>> -> memref<1x64x512xf32, #tpu.memory_space<hbm>>
      %dma_start3A_426 = tpu.memref_squeeze %dma_start3A_425 : memref<1x64x512xf32, #tpu.memory_space<hbm>> -> memref<64x512xf32, #tpu.memory_space<hbm>>
      %dma_start3A_427 = arith.constant 0 : i32
      %dma_start3A_428 = arith.constant 0 : i32
      %dma_start3A_429 = tpu.memref_slice %arg6[%dma_start3A_416, %dma_start3A_427, %dma_start3A_428] : memref<3x64x512xf32, #tpu.memory_space<vmem>> -> memref<1x64x512xf32, #tpu.memory_space<vmem>>
      %dma_start3A_430 = tpu.memref_squeeze %dma_start3A_429 : memref<1x64x512xf32, #tpu.memory_space<vmem>> -> memref<64x512xf32, #tpu.memory_space<vmem>>
      tpu.enqueue_dma source(%dma_start3A_430 : memref<64x512xf32, #tpu.memory_space<vmem>>) target(%dma_start3A_426 : memref<64x512xf32, #tpu.memory_space<hbm>>) target_semaphore(%arg12 : memref<!tpu.dma_semaphore, #tpu.memory_space<semaphore_mem>>)
      %dma_wait3A_431 = arith.constant 2 : i32
      %dma_wait3A_432 = arith.constant 0 : i32
      %dma_wait3A_433 = arith.constant 0 : i32
      %dma_wait3A_434 = arith.constant 0 : i32
      %dma_wait3A_435 = tpu.memref_slice %arg6[%dma_wait3A_431, %dma_wait3A_433, %dma_wait3A_434] : memref<3x64x512xf32, #tpu.memory_space<vmem>> -> memref<1x64x512xf32, #tpu.memory_space<vmem>>
      %dma_wait3A_436 = tpu.memref_squeeze %dma_wait3A_435 : memref<1x64x512xf32, #tpu.memory_space<vmem>> -> memref<64x512xf32, #tpu.memory_space<vmem>>
      %dma_wait3A_437 = arith.constant 0 : i32
      %dma_wait3A_438 = arith.constant 0 : i32
      %dma_wait3A_439 = tpu.memref_slice %arg4[%dma_wait3A_432, %dma_wait3A_437, %dma_wait3A_438] : memref<77x4096x512xf32, #tpu.memory_space<hbm>> -> memref<1x64x512xf32, #tpu.memory_space<hbm>>
      %dma_wait3A_440 = tpu.memref_squeeze %dma_wait3A_439 : memref<1x64x512xf32, #tpu.memory_space<hbm>> -> memref<64x512xf32, #tpu.memory_space<hbm>>
      %dma_wait3A_441 = arith.constant 0 : i32
      %dma_wait3A_442 = arith.constant 0 : i32
      %dma_wait3A_443 = tpu.memref_slice %arg4[%dma_wait3A_432, %dma_wait3A_441, %dma_wait3A_442] : memref<77x4096x512xf32, #tpu.memory_space<hbm>> -> memref<1x64x512xf32, #tpu.memory_space<hbm>>
      %dma_wait3A_444 = tpu.memref_squeeze %dma_wait3A_443 : memref<1x64x512xf32, #tpu.memory_space<hbm>> -> memref<64x512xf32, #tpu.memory_space<hbm>>
      %dma_wait3A_445 = arith.constant 0 : i32
      %dma_wait3A_446 = arith.constant 0 : i32
      %dma_wait3A_447 = tpu.memref_slice %arg6[%dma_wait3A_431, %dma_wait3A_445, %dma_wait3A_446] : memref<3x64x512xf32, #tpu.memory_space<vmem>> -> memref<1x64x512xf32, #tpu.memory_space<vmem>>
      %dma_wait3A_448 = tpu.memref_squeeze %dma_wait3A_447 : memref<1x64x512xf32, #tpu.memory_space<vmem>> -> memref<64x512xf32, #tpu.memory_space<vmem>>
      tpu.wait_dma2 semaphore(%arg12 : memref<!tpu.dma_semaphore, #tpu.memory_space<semaphore_mem>>) src(%dma_wait3A_448 : memref<64x512xf32, #tpu.memory_space<vmem>>) dst(%dma_wait3A_444 : memref<64x512xf32, #tpu.memory_space<hbm>>)
      %mul3A_449 = arith.constant 3 : i32
      %mul3A_450 = arith.muli %mul3A_449, %scan3A_252 : i32
      %add3A_451 = arith.constant 2 : i32
      %add3A_452 = arith.addi %mul3A_450, %add3A_451 : i32
      %mul3A_453 = arith.constant 128 : i32
      %mul3A_454 = arith.muli %add3A_452, %mul3A_453 : i32
      %add3A_455 = arith.constant 64 : i32
      %add3A_456 = arith.addi %mul3A_454, %add3A_455 : i32
      %dma_start3A_457 = arith.constant 2 : i32
      %dma_start3A_458 = arith.constant 0 : i32
      %dma_start3A_459 = arith.constant 0 : i32
      %dma_start3A_460 = tpu.memref_slice %arg6[%dma_start3A_457, %dma_start3A_458, %dma_start3A_459] : memref<3x64x512xf32, #tpu.memory_space<vmem>> -> memref<1x64x512xf32, #tpu.memory_space<vmem>>
      %dma_start3A_461 = tpu.memref_squeeze %dma_start3A_460 : memref<1x64x512xf32, #tpu.memory_space<vmem>> -> memref<64x512xf32, #tpu.memory_space<vmem>>
      %dma_start3A_462 = tpu.memref_slice %arg5[%add3A_456] : memref<9856xi32, #tpu.memory_space<vmem>> -> memref<64xi32, #tpu.memory_space<vmem>>
      %dma_start3A_463 = arith.constant 0 : i32
      %dma_start3A_464 = arith.constant 0 : i32
      %dma_start3A_465 = tpu.memref_slice %arg2[%dma_start3A_463, %dma_start3A_464] : memref<80000x512xf32, #tpu.memory_space<hbm>> -> memref<80000x512xf32, #tpu.memory_space<hbm>>
      tpu.enqueue_indirect_dma source(%dma_start3A_465 : memref<80000x512xf32, #tpu.memory_space<hbm>>) target(%dma_start3A_461 : memref<64x512xf32, #tpu.memory_space<vmem>>) offsets(%dma_start3A_462 : memref<64xi32, #tpu.memory_space<vmem>>) semaphore(%arg9 : memref<!tpu.dma_semaphore, #tpu.memory_space<semaphore_mem>>)
      %mul3A_466 = arith.constant 3 : i32
      %mul3A_467 = arith.muli %mul3A_466, %scan3A_252 : i32
      %add3A_468 = arith.constant 1 : i32
      %add3A_469 = arith.addi %mul3A_467, %add3A_468 : i32
      %dma_wait3A_470 = arith.constant 0 : i32
      %dma_wait3A_471 = arith.constant 0 : i32
      %dma_wait3A_472 = arith.constant 0 : i32
      %dma_wait3A_473 = tpu.memref_slice %arg6[%dma_wait3A_470, %dma_wait3A_471, %dma_wait3A_472] : memref<3x64x512xf32, #tpu.memory_space<vmem>> -> memref<1x64x512xf32, #tpu.memory_space<vmem>>
      %dma_wait3A_474 = tpu.memref_squeeze %dma_wait3A_473 : memref<1x64x512xf32, #tpu.memory_space<vmem>> -> memref<64x512xf32, #tpu.memory_space<vmem>>
      %dma_wait3A_475 = arith.constant 0 : i32
      %dma_wait3A_476 = arith.constant 0 : i32
      %dma_wait3A_477 = tpu.memref_slice %arg2[%dma_wait3A_475, %dma_wait3A_476] : memref<80000x512xf32, #tpu.memory_space<hbm>> -> memref<64x512xf32, #tpu.memory_space<hbm>>
      %dma_wait3A_478 = arith.constant 0 : i32
      %dma_wait3A_479 = arith.constant 0 : i32
      %dma_wait3A_480 = tpu.memref_slice %arg6[%dma_wait3A_470, %dma_wait3A_478, %dma_wait3A_479] : memref<3x64x512xf32, #tpu.memory_space<vmem>> -> memref<1x64x512xf32, #tpu.memory_space<vmem>>
      %dma_wait3A_481 = tpu.memref_squeeze %dma_wait3A_480 : memref<1x64x512xf32, #tpu.memory_space<vmem>> -> memref<64x512xf32, #tpu.memory_space<vmem>>
      %dma_wait3A_482 = arith.constant 0 : i32
      %dma_wait3A_483 = arith.constant 0 : i32
      %dma_wait3A_484 = tpu.memref_slice %arg2[%dma_wait3A_482, %dma_wait3A_483] : memref<80000x512xf32, #tpu.memory_space<hbm>> -> memref<64x512xf32, #tpu.memory_space<hbm>>
      tpu.wait_dma2 semaphore(%arg7 : memref<!tpu.dma_semaphore, #tpu.memory_space<semaphore_mem>>) src(%dma_wait3A_484 : memref<64x512xf32, #tpu.memory_space<hbm>>) dst(%dma_wait3A_481 : memref<64x512xf32, #tpu.memory_space<vmem>>)
      %add3A_485 = arith.constant 64 : i32
      %add3A_486 = arith.addi %mul3A_2, %add3A_485 : i32
      %dma_start3A_487 = arith.constant 0 : i32
      %dma_start3A_488 = arith.constant 0 : i32
      %dma_start3A_489 = arith.constant 0 : i32
      %dma_start3A_490 = tpu.memref_slice %arg6[%dma_start3A_487, %dma_start3A_488, %dma_start3A_489] : memref<3x64x512xf32, #tpu.memory_space<vmem>> -> memref<1x64x512xf32, #tpu.memory_space<vmem>>
      %dma_start3A_491 = tpu.memref_squeeze %dma_start3A_490 : memref<1x64x512xf32, #tpu.memory_space<vmem>> -> memref<64x512xf32, #tpu.memory_space<vmem>>
      %dma_start3A_492 = arith.constant 0 : i32
      %dma_start3A_493 = tpu.memref_slice %arg4[%add3A_469, %add3A_486, %dma_start3A_492] : memref<77x4096x512xf32, #tpu.memory_space<hbm>> -> memref<1x64x512xf32, #tpu.memory_space<hbm>>
      %dma_start3A_494 = tpu.memref_squeeze %dma_start3A_493 : memref<1x64x512xf32, #tpu.memory_space<hbm>> -> memref<64x512xf32, #tpu.memory_space<hbm>>
      %dma_start3A_495 = arith.constant 0 : i32
      %dma_start3A_496 = tpu.memref_slice %arg4[%add3A_469, %add3A_486, %dma_start3A_495] : memref<77x4096x512xf32, #tpu.memory_space<hbm>> -> memref<1x64x512xf32, #tpu.memory_space<hbm>>
      %dma_start3A_497 = tpu.memref_squeeze %dma_start3A_496 : memref<1x64x512xf32, #tpu.memory_space<hbm>> -> memref<64x512xf32, #tpu.memory_space<hbm>>
      %dma_start3A_498 = arith.constant 0 : i32
      %dma_start3A_499 = arith.constant 0 : i32
      %dma_start3A_500 = tpu.memref_slice %arg6[%dma_start3A_487, %dma_start3A_498, %dma_start3A_499] : memref<3x64x512xf32, #tpu.memory_space<vmem>> -> memref<1x64x512xf32, #tpu.memory_space<vmem>>
      %dma_start3A_501 = tpu.memref_squeeze %dma_start3A_500 : memref<1x64x512xf32, #tpu.memory_space<vmem>> -> memref<64x512xf32, #tpu.memory_space<vmem>>
      tpu.enqueue_dma source(%dma_start3A_501 : memref<64x512xf32, #tpu.memory_space<vmem>>) target(%dma_start3A_497 : memref<64x512xf32, #tpu.memory_space<hbm>>) target_semaphore(%arg10 : memref<!tpu.dma_semaphore, #tpu.memory_space<semaphore_mem>>)
      %dma_wait3A_502 = arith.constant 0 : i32
      %dma_wait3A_503 = arith.constant 0 : i32
      %dma_wait3A_504 = arith.constant 0 : i32
      %dma_wait3A_505 = arith.constant 0 : i32
      %dma_wait3A_506 = tpu.memref_slice %arg6[%dma_wait3A_502, %dma_wait3A_504, %dma_wait3A_505] : memref<3x64x512xf32, #tpu.memory_space<vmem>> -> memref<1x64x512xf32, #tpu.memory_space<vmem>>
      %dma_wait3A_507 = tpu.memref_squeeze %dma_wait3A_506 : memref<1x64x512xf32, #tpu.memory_space<vmem>> -> memref<64x512xf32, #tpu.memory_space<vmem>>
      %dma_wait3A_508 = arith.constant 0 : i32
      %dma_wait3A_509 = arith.constant 0 : i32
      %dma_wait3A_510 = tpu.memref_slice %arg4[%dma_wait3A_503, %dma_wait3A_508, %dma_wait3A_509] : memref<77x4096x512xf32, #tpu.memory_space<hbm>> -> memref<1x64x512xf32, #tpu.memory_space<hbm>>
      %dma_wait3A_511 = tpu.memref_squeeze %dma_wait3A_510 : memref<1x64x512xf32, #tpu.memory_space<hbm>> -> memref<64x512xf32, #tpu.memory_space<hbm>>
      %dma_wait3A_512 = arith.constant 0 : i32
      %dma_wait3A_513 = arith.constant 0 : i32
      %dma_wait3A_514 = tpu.memref_slice %arg4[%dma_wait3A_503, %dma_wait3A_512, %dma_wait3A_513] : memref<77x4096x512xf32, #tpu.memory_space<hbm>> -> memref<1x64x512xf32, #tpu.memory_space<hbm>>
      %dma_wait3A_515 = tpu.memref_squeeze %dma_wait3A_514 : memref<1x64x512xf32, #tpu.memory_space<hbm>> -> memref<64x512xf32, #tpu.memory_space<hbm>>
      %dma_wait3A_516 = arith.constant 0 : i32
      %dma_wait3A_517 = arith.constant 0 : i32
      %dma_wait3A_518 = tpu.memref_slice %arg6[%dma_wait3A_502, %dma_wait3A_516, %dma_wait3A_517] : memref<3x64x512xf32, #tpu.memory_space<vmem>> -> memref<1x64x512xf32, #tpu.memory_space<vmem>>
      %dma_wait3A_519 = tpu.memref_squeeze %dma_wait3A_518 : memref<1x64x512xf32, #tpu.memory_space<vmem>> -> memref<64x512xf32, #tpu.memory_space<vmem>>
      tpu.wait_dma2 semaphore(%arg10 : memref<!tpu.dma_semaphore, #tpu.memory_space<semaphore_mem>>) src(%dma_wait3A_519 : memref<64x512xf32, #tpu.memory_space<vmem>>) dst(%dma_wait3A_515 : memref<64x512xf32, #tpu.memory_space<hbm>>)
      %mul3A_520 = arith.constant 3 : i32
      %mul3A_521 = arith.muli %mul3A_520, %scan3A_252 : i32
      %add3A_522 = arith.constant 3 : i32
      %add3A_523 = arith.addi %mul3A_521, %add3A_522 : i32
      %mul3A_524 = arith.constant 128 : i32
      %mul3A_525 = arith.muli %add3A_523, %mul3A_524 : i32
      %add3A_526 = arith.constant 0 : i32
      %add3A_527 = arith.addi %mul3A_525, %add3A_526 : i32
      %dma_start3A_528 = arith.constant 0 : i32
      %dma_start3A_529 = arith.constant 0 : i32
      %dma_start3A_530 = arith.constant 0 : i32
      %dma_start3A_531 = tpu.memref_slice %arg6[%dma_start3A_528, %dma_start3A_529, %dma_start3A_530] : memref<3x64x512xf32, #tpu.memory_space<vmem>> -> memref<1x64x512xf32, #tpu.memory_space<vmem>>
      %dma_start3A_532 = tpu.memref_squeeze %dma_start3A_531 : memref<1x64x512xf32, #tpu.memory_space<vmem>> -> memref<64x512xf32, #tpu.memory_space<vmem>>
      %dma_start3A_533 = tpu.memref_slice %arg5[%add3A_527] : memref<9856xi32, #tpu.memory_space<vmem>> -> memref<64xi32, #tpu.memory_space<vmem>>
      %dma_start3A_534 = arith.constant 0 : i32
      %dma_start3A_535 = arith.constant 0 : i32
      %dma_start3A_536 = tpu.memref_slice %arg2[%dma_start3A_534, %dma_start3A_535] : memref<80000x512xf32, #tpu.memory_space<hbm>> -> memref<80000x512xf32, #tpu.memory_space<hbm>>
      tpu.enqueue_indirect_dma source(%dma_start3A_536 : memref<80000x512xf32, #tpu.memory_space<hbm>>) target(%dma_start3A_532 : memref<64x512xf32, #tpu.memory_space<vmem>>) offsets(%dma_start3A_533 : memref<64xi32, #tpu.memory_space<vmem>>) semaphore(%arg7 : memref<!tpu.dma_semaphore, #tpu.memory_space<semaphore_mem>>)
      %mul3A_537 = arith.constant 3 : i32
      %mul3A_538 = arith.muli %mul3A_537, %scan3A_252 : i32
      %add3A_539 = arith.constant 2 : i32
      %add3A_540 = arith.addi %mul3A_538, %add3A_539 : i32
      %dma_wait3A_541 = arith.constant 1 : i32
      %dma_wait3A_542 = arith.constant 0 : i32
      %dma_wait3A_543 = arith.constant 0 : i32
      %dma_wait3A_544 = tpu.memref_slice %arg6[%dma_wait3A_541, %dma_wait3A_542, %dma_wait3A_543] : memref<3x64x512xf32, #tpu.memory_space<vmem>> -> memref<1x64x512xf32, #tpu.memory_space<vmem>>
      %dma_wait3A_545 = tpu.memref_squeeze %dma_wait3A_544 : memref<1x64x512xf32, #tpu.memory_space<vmem>> -> memref<64x512xf32, #tpu.memory_space<vmem>>
      %dma_wait3A_546 = arith.constant 0 : i32
      %dma_wait3A_547 = arith.constant 0 : i32
      %dma_wait3A_548 = tpu.memref_slice %arg2[%dma_wait3A_546, %dma_wait3A_547] : memref<80000x512xf32, #tpu.memory_space<hbm>> -> memref<64x512xf32, #tpu.memory_space<hbm>>
      %dma_wait3A_549 = arith.constant 0 : i32
      %dma_wait3A_550 = arith.constant 0 : i32
      %dma_wait3A_551 = tpu.memref_slice %arg6[%dma_wait3A_541, %dma_wait3A_549, %dma_wait3A_550] : memref<3x64x512xf32, #tpu.memory_space<vmem>> -> memref<1x64x512xf32, #tpu.memory_space<vmem>>
      %dma_wait3A_552 = tpu.memref_squeeze %dma_wait3A_551 : memref<1x64x512xf32, #tpu.memory_space<vmem>> -> memref<64x512xf32, #tpu.memory_space<vmem>>
      %dma_wait3A_553 = arith.constant 0 : i32
      %dma_wait3A_554 = arith.constant 0 : i32
      %dma_wait3A_555 = tpu.memref_slice %arg2[%dma_wait3A_553, %dma_wait3A_554] : memref<80000x512xf32, #tpu.memory_space<hbm>> -> memref<64x512xf32, #tpu.memory_space<hbm>>
      tpu.wait_dma2 semaphore(%arg8 : memref<!tpu.dma_semaphore, #tpu.memory_space<semaphore_mem>>) src(%dma_wait3A_555 : memref<64x512xf32, #tpu.memory_space<hbm>>) dst(%dma_wait3A_552 : memref<64x512xf32, #tpu.memory_space<vmem>>)
      %add3A_556 = arith.constant 0 : i32
      %add3A_557 = arith.addi %mul3A_2, %add3A_556 : i32
      %dma_start3A_558 = arith.constant 1 : i32
      %dma_start3A_559 = arith.constant 0 : i32
      %dma_start3A_560 = arith.constant 0 : i32
      %dma_start3A_561 = tpu.memref_slice %arg6[%dma_start3A_558, %dma_start3A_559, %dma_start3A_560] : memref<3x64x512xf32, #tpu.memory_space<vmem>> -> memref<1x64x512xf32, #tpu.memory_space<vmem>>
      %dma_start3A_562 = tpu.memref_squeeze %dma_start3A_561 : memref<1x64x512xf32, #tpu.memory_space<vmem>> -> memref<64x512xf32, #tpu.memory_space<vmem>>
      %dma_start3A_563 = arith.constant 0 : i32
      %dma_start3A_564 = tpu.memref_slice %arg4[%add3A_540, %add3A_557, %dma_start3A_563] : memref<77x4096x512xf32, #tpu.memory_space<hbm>> -> memref<1x64x512xf32, #tpu.memory_space<hbm>>
      %dma_start3A_565 = tpu.memref_squeeze %dma_start3A_564 : memref<1x64x512xf32, #tpu.memory_space<hbm>> -> memref<64x512xf32, #tpu.memory_space<hbm>>
      %dma_start3A_566 = arith.constant 0 : i32
      %dma_start3A_567 = tpu.memref_slice %arg4[%add3A_540, %add3A_557, %dma_start3A_566] : memref<77x4096x512xf32, #tpu.memory_space<hbm>> -> memref<1x64x512xf32, #tpu.memory_space<hbm>>
      %dma_start3A_568 = tpu.memref_squeeze %dma_start3A_567 : memref<1x64x512xf32, #tpu.memory_space<hbm>> -> memref<64x512xf32, #tpu.memory_space<hbm>>
      %dma_start3A_569 = arith.constant 0 : i32
      %dma_start3A_570 = arith.constant 0 : i32
      %dma_start3A_571 = tpu.memref_slice %arg6[%dma_start3A_558, %dma_start3A_569, %dma_start3A_570] : memref<3x64x512xf32, #tpu.memory_space<vmem>> -> memref<1x64x512xf32, #tpu.memory_space<vmem>>
      %dma_start3A_572 = tpu.memref_squeeze %dma_start3A_571 : memref<1x64x512xf32, #tpu.memory_space<vmem>> -> memref<64x512xf32, #tpu.memory_space<vmem>>
      tpu.enqueue_dma source(%dma_start3A_572 : memref<64x512xf32, #tpu.memory_space<vmem>>) target(%dma_start3A_568 : memref<64x512xf32, #tpu.memory_space<hbm>>) target_semaphore(%arg11 : memref<!tpu.dma_semaphore, #tpu.memory_space<semaphore_mem>>)
      %dma_wait3A_573 = arith.constant 1 : i32
      %dma_wait3A_574 = arith.constant 0 : i32
      %dma_wait3A_575 = arith.constant 0 : i32
      %dma_wait3A_576 = arith.constant 0 : i32
      %dma_wait3A_577 = tpu.memref_slice %arg6[%dma_wait3A_573, %dma_wait3A_575, %dma_wait3A_576] : memref<3x64x512xf32, #tpu.memory_space<vmem>> -> memref<1x64x512xf32, #tpu.memory_space<vmem>>
      %dma_wait3A_578 = tpu.memref_squeeze %dma_wait3A_577 : memref<1x64x512xf32, #tpu.memory_space<vmem>> -> memref<64x512xf32, #tpu.memory_space<vmem>>
      %dma_wait3A_579 = arith.constant 0 : i32
      %dma_wait3A_580 = arith.constant 0 : i32
      %dma_wait3A_581 = tpu.memref_slice %arg4[%dma_wait3A_574, %dma_wait3A_579, %dma_wait3A_580] : memref<77x4096x512xf32, #tpu.memory_space<hbm>> -> memref<1x64x512xf32, #tpu.memory_space<hbm>>
      %dma_wait3A_582 = tpu.memref_squeeze %dma_wait3A_581 : memref<1x64x512xf32, #tpu.memory_space<hbm>> -> memref<64x512xf32, #tpu.memory_space<hbm>>
      %dma_wait3A_583 = arith.constant 0 : i32
      %dma_wait3A_584 = arith.constant 0 : i32
      %dma_wait3A_585 = tpu.memref_slice %arg4[%dma_wait3A_574, %dma_wait3A_583, %dma_wait3A_584] : memref<77x4096x512xf32, #tpu.memory_space<hbm>> -> memref<1x64x512xf32, #tpu.memory_space<hbm>>
      %dma_wait3A_586 = tpu.memref_squeeze %dma_wait3A_585 : memref<1x64x512xf32, #tpu.memory_space<hbm>> -> memref<64x512xf32, #tpu.memory_space<hbm>>
      %dma_wait3A_587 = arith.constant 0 : i32
      %dma_wait3A_588 = arith.constant 0 : i32
      %dma_wait3A_589 = tpu.memref_slice %arg6[%dma_wait3A_573, %dma_wait3A_587, %dma_wait3A_588] : memref<3x64x512xf32, #tpu.memory_space<vmem>> -> memref<1x64x512xf32, #tpu.memory_space<vmem>>
      %dma_wait3A_590 = tpu.memref_squeeze %dma_wait3A_589 : memref<1x64x512xf32, #tpu.memory_space<vmem>> -> memref<64x512xf32, #tpu.memory_space<vmem>>
      tpu.wait_dma2 semaphore(%arg11 : memref<!tpu.dma_semaphore, #tpu.memory_space<semaphore_mem>>) src(%dma_wait3A_590 : memref<64x512xf32, #tpu.memory_space<vmem>>) dst(%dma_wait3A_586 : memref<64x512xf32, #tpu.memory_space<hbm>>)
      %mul3A_591 = arith.constant 3 : i32
      %mul3A_592 = arith.muli %mul3A_591, %scan3A_252 : i32
      %add3A_593 = arith.constant 3 : i32
      %add3A_594 = arith.addi %mul3A_592, %add3A_593 : i32
      %mul3A_595 = arith.constant 128 : i32
      %mul3A_596 = arith.muli %add3A_594, %mul3A_595 : i32
      %add3A_597 = arith.constant 64 : i32
      %add3A_598 = arith.addi %mul3A_596, %add3A_597 : i32
      %dma_start3A_599 = arith.constant 1 : i32
      %dma_start3A_600 = arith.constant 0 : i32
      %dma_start3A_601 = arith.constant 0 : i32
      %dma_start3A_602 = tpu.memref_slice %arg6[%dma_start3A_599, %dma_start3A_600, %dma_start3A_601] : memref<3x64x512xf32, #tpu.memory_space<vmem>> -> memref<1x64x512xf32, #tpu.memory_space<vmem>>
      %dma_start3A_603 = tpu.memref_squeeze %dma_start3A_602 : memref<1x64x512xf32, #tpu.memory_space<vmem>> -> memref<64x512xf32, #tpu.memory_space<vmem>>
      %dma_start3A_604 = tpu.memref_slice %arg5[%add3A_598] : memref<9856xi32, #tpu.memory_space<vmem>> -> memref<64xi32, #tpu.memory_space<vmem>>
      %dma_start3A_605 = arith.constant 0 : i32
      %dma_start3A_606 = arith.constant 0 : i32
      %dma_start3A_607 = tpu.memref_slice %arg2[%dma_start3A_605, %dma_start3A_606] : memref<80000x512xf32, #tpu.memory_space<hbm>> -> memref<80000x512xf32, #tpu.memory_space<hbm>>
      tpu.enqueue_indirect_dma source(%dma_start3A_607 : memref<80000x512xf32, #tpu.memory_space<hbm>>) target(%dma_start3A_603 : memref<64x512xf32, #tpu.memory_space<vmem>>) offsets(%dma_start3A_604 : memref<64xi32, #tpu.memory_space<vmem>>) semaphore(%arg8 : memref<!tpu.dma_semaphore, #tpu.memory_space<semaphore_mem>>)
      %mul3A_608 = arith.constant 3 : i32
      %mul3A_609 = arith.muli %mul3A_608, %scan3A_252 : i32
      %add3A_610 = arith.constant 2 : i32
      %add3A_611 = arith.addi %mul3A_609, %add3A_610 : i32
      %dma_wait3A_612 = arith.constant 2 : i32
      %dma_wait3A_613 = arith.constant 0 : i32
      %dma_wait3A_614 = arith.constant 0 : i32
      %dma_wait3A_615 = tpu.memref_slice %arg6[%dma_wait3A_612, %dma_wait3A_613, %dma_wait3A_614] : memref<3x64x512xf32, #tpu.memory_space<vmem>> -> memref<1x64x512xf32, #tpu.memory_space<vmem>>
      %dma_wait3A_616 = tpu.memref_squeeze %dma_wait3A_615 : memref<1x64x512xf32, #tpu.memory_space<vmem>> -> memref<64x512xf32, #tpu.memory_space<vmem>>
      %dma_wait3A_617 = arith.constant 0 : i32
      %dma_wait3A_618 = arith.constant 0 : i32
      %dma_wait3A_619 = tpu.memref_slice %arg2[%dma_wait3A_617, %dma_wait3A_618] : memref<80000x512xf32, #tpu.memory_space<hbm>> -> memref<64x512xf32, #tpu.memory_space<hbm>>
      %dma_wait3A_620 = arith.constant 0 : i32
      %dma_wait3A_621 = arith.constant 0 : i32
      %dma_wait3A_622 = tpu.memref_slice %arg6[%dma_wait3A_612, %dma_wait3A_620, %dma_wait3A_621] : memref<3x64x512xf32, #tpu.memory_space<vmem>> -> memref<1x64x512xf32, #tpu.memory_space<vmem>>
      %dma_wait3A_623 = tpu.memref_squeeze %dma_wait3A_622 : memref<1x64x512xf32, #tpu.memory_space<vmem>> -> memref<64x512xf32, #tpu.memory_space<vmem>>
      %dma_wait3A_624 = arith.constant 0 : i32
      %dma_wait3A_625 = arith.constant 0 : i32
      %dma_wait3A_626 = tpu.memref_slice %arg2[%dma_wait3A_624, %dma_wait3A_625] : memref<80000x512xf32, #tpu.memory_space<hbm>> -> memref<64x512xf32, #tpu.memory_space<hbm>>
      tpu.wait_dma2 semaphore(%arg9 : memref<!tpu.dma_semaphore, #tpu.memory_space<semaphore_mem>>) src(%dma_wait3A_626 : memref<64x512xf32, #tpu.memory_space<hbm>>) dst(%dma_wait3A_623 : memref<64x512xf32, #tpu.memory_space<vmem>>)
      %add3A_627 = arith.constant 64 : i32
      %add3A_628 = arith.addi %mul3A_2, %add3A_627 : i32
      %dma_start3A_629 = arith.constant 2 : i32
      %dma_start3A_630 = arith.constant 0 : i32
      %dma_start3A_631 = arith.constant 0 : i32
      %dma_start3A_632 = tpu.memref_slice %arg6[%dma_start3A_629, %dma_start3A_630, %dma_start3A_631] : memref<3x64x512xf32, #tpu.memory_space<vmem>> -> memref<1x64x512xf32, #tpu.memory_space<vmem>>
      %dma_start3A_633 = tpu.memref_squeeze %dma_start3A_632 : memref<1x64x512xf32, #tpu.memory_space<vmem>> -> memref<64x512xf32, #tpu.memory_space<vmem>>
      %dma_start3A_634 = arith.constant 0 : i32
      %dma_start3A_635 = tpu.memref_slice %arg4[%add3A_611, %add3A_628, %dma_start3A_634] : memref<77x4096x512xf32, #tpu.memory_space<hbm>> -> memref<1x64x512xf32, #tpu.memory_space<hbm>>
      %dma_start3A_636 = tpu.memref_squeeze %dma_start3A_635 : memref<1x64x512xf32, #tpu.memory_space<hbm>> -> memref<64x512xf32, #tpu.memory_space<hbm>>
      %dma_start3A_637 = arith.constant 0 : i32
      %dma_start3A_638 = tpu.memref_slice %arg4[%add3A_611, %add3A_628, %dma_start3A_637] : memref<77x4096x512xf32, #tpu.memory_space<hbm>> -> memref<1x64x512xf32, #tpu.memory_space<hbm>>
      %dma_start3A_639 = tpu.memref_squeeze %dma_start3A_638 : memref<1x64x512xf32, #tpu.memory_space<hbm>> -> memref<64x512xf32, #tpu.memory_space<hbm>>
      %dma_start3A_640 = arith.constant 0 : i32
      %dma_start3A_641 = arith.constant 0 : i32
      %dma_start3A_642 = tpu.memref_slice %arg6[%dma_start3A_629, %dma_start3A_640, %dma_start3A_641] : memref<3x64x512xf32, #tpu.memory_space<vmem>> -> memref<1x64x512xf32, #tpu.memory_space<vmem>>
      %dma_start3A_643 = tpu.memref_squeeze %dma_start3A_642 : memref<1x64x512xf32, #tpu.memory_space<vmem>> -> memref<64x512xf32, #tpu.memory_space<vmem>>
      tpu.enqueue_dma source(%dma_start3A_643 : memref<64x512xf32, #tpu.memory_space<vmem>>) target(%dma_start3A_639 : memref<64x512xf32, #tpu.memory_space<hbm>>) target_semaphore(%arg12 : memref<!tpu.dma_semaphore, #tpu.memory_space<semaphore_mem>>)
      %dma_wait3A_644 = arith.constant 2 : i32
      %dma_wait3A_645 = arith.constant 0 : i32
      %dma_wait3A_646 = arith.constant 0 : i32
      %dma_wait3A_647 = arith.constant 0 : i32
      %dma_wait3A_648 = tpu.memref_slice %arg6[%dma_wait3A_644, %dma_wait3A_646, %dma_wait3A_647] : memref<3x64x512xf32, #tpu.memory_space<vmem>> -> memref<1x64x512xf32, #tpu.memory_space<vmem>>
      %dma_wait3A_649 = tpu.memref_squeeze %dma_wait3A_648 : memref<1x64x512xf32, #tpu.memory_space<vmem>> -> memref<64x512xf32, #tpu.memory_space<vmem>>
      %dma_wait3A_650 = arith.constant 0 : i32
      %dma_wait3A_651 = arith.constant 0 : i32
      %dma_wait3A_652 = tpu.memref_slice %arg4[%dma_wait3A_645, %dma_wait3A_650, %dma_wait3A_651] : memref<77x4096x512xf32, #tpu.memory_space<hbm>> -> memref<1x64x512xf32, #tpu.memory_space<hbm>>
      %dma_wait3A_653 = tpu.memref_squeeze %dma_wait3A_652 : memref<1x64x512xf32, #tpu.memory_space<hbm>> -> memref<64x512xf32, #tpu.memory_space<hbm>>
      %dma_wait3A_654 = arith.constant 0 : i32
      %dma_wait3A_655 = arith.constant 0 : i32
      %dma_wait3A_656 = tpu.memref_slice %arg4[%dma_wait3A_645, %dma_wait3A_654, %dma_wait3A_655] : memref<77x4096x512xf32, #tpu.memory_space<hbm>> -> memref<1x64x512xf32, #tpu.memory_space<hbm>>
      %dma_wait3A_657 = tpu.memref_squeeze %dma_wait3A_656 : memref<1x64x512xf32, #tpu.memory_space<hbm>> -> memref<64x512xf32, #tpu.memory_space<hbm>>
      %dma_wait3A_658 = arith.constant 0 : i32
      %dma_wait3A_659 = arith.constant 0 : i32
      %dma_wait3A_660 = tpu.memref_slice %arg6[%dma_wait3A_644, %dma_wait3A_658, %dma_wait3A_659] : memref<3x64x512xf32, #tpu.memory_space<vmem>> -> memref<1x64x512xf32, #tpu.memory_space<vmem>>
      %dma_wait3A_661 = tpu.memref_squeeze %dma_wait3A_660 : memref<1x64x512xf32, #tpu.memory_space<vmem>> -> memref<64x512xf32, #tpu.memory_space<vmem>>
      tpu.wait_dma2 semaphore(%arg12 : memref<!tpu.dma_semaphore, #tpu.memory_space<semaphore_mem>>) src(%dma_wait3A_661 : memref<64x512xf32, #tpu.memory_space<vmem>>) dst(%dma_wait3A_657 : memref<64x512xf32, #tpu.memory_space<hbm>>)
      %mul3A_662 = arith.constant 3 : i32
      %mul3A_663 = arith.muli %mul3A_662, %scan3A_252 : i32
      %add3A_664 = arith.constant 4 : i32
      %add3A_665 = arith.addi %mul3A_663, %add3A_664 : i32
      %mul3A_666 = arith.constant 128 : i32
      %mul3A_667 = arith.muli %add3A_665, %mul3A_666 : i32
      %add3A_668 = arith.constant 0 : i32
      %add3A_669 = arith.addi %mul3A_667, %add3A_668 : i32
      %dma_start3A_670 = arith.constant 2 : i32
      %dma_start3A_671 = arith.constant 0 : i32
      %dma_start3A_672 = arith.constant 0 : i32
      %dma_start3A_673 = tpu.memref_slice %arg6[%dma_start3A_670, %dma_start3A_671, %dma_start3A_672] : memref<3x64x512xf32, #tpu.memory_space<vmem>> -> memref<1x64x512xf32, #tpu.memory_space<vmem>>
      %dma_start3A_674 = tpu.memref_squeeze %dma_start3A_673 : memref<1x64x512xf32, #tpu.memory_space<vmem>> -> memref<64x512xf32, #tpu.memory_space<vmem>>
      %dma_start3A_675 = tpu.memref_slice %arg5[%add3A_669] : memref<9856xi32, #tpu.memory_space<vmem>> -> memref<64xi32, #tpu.memory_space<vmem>>
      %dma_start3A_676 = arith.constant 0 : i32
      %dma_start3A_677 = arith.constant 0 : i32
      %dma_start3A_678 = tpu.memref_slice %arg2[%dma_start3A_676, %dma_start3A_677] : memref<80000x512xf32, #tpu.memory_space<hbm>> -> memref<80000x512xf32, #tpu.memory_space<hbm>>
      tpu.enqueue_indirect_dma source(%dma_start3A_678 : memref<80000x512xf32, #tpu.memory_space<hbm>>) target(%dma_start3A_674 : memref<64x512xf32, #tpu.memory_space<vmem>>) offsets(%dma_start3A_675 : memref<64xi32, #tpu.memory_space<vmem>>) semaphore(%arg9 : memref<!tpu.dma_semaphore, #tpu.memory_space<semaphore_mem>>)
    }
    %scan3A_38 = arith.constant 25 : i32
    %dma_wait3A = arith.constant 0 : i32
    %dma_wait3A_39 = arith.constant 0 : i32
    %dma_wait3A_40 = arith.constant 0 : i32
    %dma_wait3A_41 = tpu.memref_slice %arg6[%dma_wait3A, %dma_wait3A_39, %dma_wait3A_40] : memref<3x64x512xf32, #tpu.memory_space<vmem>> -> memref<1x64x512xf32, #tpu.memory_space<vmem>>
    %dma_wait3A_42 = tpu.memref_squeeze %dma_wait3A_41 : memref<1x64x512xf32, #tpu.memory_space<vmem>> -> memref<64x512xf32, #tpu.memory_space<vmem>>
    %dma_wait3A_43 = arith.constant 0 : i32
    %dma_wait3A_44 = arith.constant 0 : i32
    %dma_wait3A_45 = tpu.memref_slice %arg2[%dma_wait3A_43, %dma_wait3A_44] : memref<80000x512xf32, #tpu.memory_space<hbm>> -> memref<64x512xf32, #tpu.memory_space<hbm>>
    %dma_wait3A_46 = arith.constant 0 : i32
    %dma_wait3A_47 = arith.constant 0 : i32
    %dma_wait3A_48 = tpu.memref_slice %arg6[%dma_wait3A, %dma_wait3A_46, %dma_wait3A_47] : memref<3x64x512xf32, #tpu.memory_space<vmem>> -> memref<1x64x512xf32, #tpu.memory_space<vmem>>
    %dma_wait3A_49 = tpu.memref_squeeze %dma_wait3A_48 : memref<1x64x512xf32, #tpu.memory_space<vmem>> -> memref<64x512xf32, #tpu.memory_space<vmem>>
    %dma_wait3A_50 = arith.constant 0 : i32
    %dma_wait3A_51 = arith.constant 0 : i32
    %dma_wait3A_52 = tpu.memref_slice %arg2[%dma_wait3A_50, %dma_wait3A_51] : memref<80000x512xf32, #tpu.memory_space<hbm>> -> memref<64x512xf32, #tpu.memory_space<hbm>>
    tpu.wait_dma2 semaphore(%arg7 : memref<!tpu.dma_semaphore, #tpu.memory_space<semaphore_mem>>) src(%dma_wait3A_52 : memref<64x512xf32, #tpu.memory_space<hbm>>) dst(%dma_wait3A_49 : memref<64x512xf32, #tpu.memory_space<vmem>>)
    %add3A_53 = arith.constant 0 : i32
    %add3A_54 = arith.addi %mul3A_2, %add3A_53 : i32
    %dma_start3A_55 = arith.constant 0 : i32
    %dma_start3A_56 = arith.constant 75 : i32
    %dma_start3A_57 = arith.constant 0 : i32
    %dma_start3A_58 = arith.constant 0 : i32
    %dma_start3A_59 = tpu.memref_slice %arg6[%dma_start3A_55, %dma_start3A_57, %dma_start3A_58] : memref<3x64x512xf32, #tpu.memory_space<vmem>> -> memref<1x64x512xf32, #tpu.memory_space<vmem>>
    %dma_start3A_60 = tpu.memref_squeeze %dma_start3A_59 : memref<1x64x512xf32, #tpu.memory_space<vmem>> -> memref<64x512xf32, #tpu.memory_space<vmem>>
    %dma_start3A_61 = arith.constant 0 : i32
    %dma_start3A_62 = tpu.memref_slice %arg4[%dma_start3A_56, %add3A_54, %dma_start3A_61] : memref<77x4096x512xf32, #tpu.memory_space<hbm>> -> memref<1x64x512xf32, #tpu.memory_space<hbm>>
    %dma_start3A_63 = tpu.memref_squeeze %dma_start3A_62 : memref<1x64x512xf32, #tpu.memory_space<hbm>> -> memref<64x512xf32, #tpu.memory_space<hbm>>
    %dma_start3A_64 = arith.constant 0 : i32
    %dma_start3A_65 = tpu.memref_slice %arg4[%dma_start3A_56, %add3A_54, %dma_start3A_64] : memref<77x4096x512xf32, #tpu.memory_space<hbm>> -> memref<1x64x512xf32, #tpu.memory_space<hbm>>
    %dma_start3A_66 = tpu.memref_squeeze %dma_start3A_65 : memref<1x64x512xf32, #tpu.memory_space<hbm>> -> memref<64x512xf32, #tpu.memory_space<hbm>>
    %dma_start3A_67 = arith.constant 0 : i32
    %dma_start3A_68 = arith.constant 0 : i32
    %dma_start3A_69 = tpu.memref_slice %arg6[%dma_start3A_55, %dma_start3A_67, %dma_start3A_68] : memref<3x64x512xf32, #tpu.memory_space<vmem>> -> memref<1x64x512xf32, #tpu.memory_space<vmem>>
    %dma_start3A_70 = tpu.memref_squeeze %dma_start3A_69 : memref<1x64x512xf32, #tpu.memory_space<vmem>> -> memref<64x512xf32, #tpu.memory_space<vmem>>
    tpu.enqueue_dma source(%dma_start3A_70 : memref<64x512xf32, #tpu.memory_space<vmem>>) target(%dma_start3A_66 : memref<64x512xf32, #tpu.memory_space<hbm>>) target_semaphore(%arg10 : memref<!tpu.dma_semaphore, #tpu.memory_space<semaphore_mem>>)
    %dma_wait3A_71 = arith.constant 0 : i32
    %dma_wait3A_72 = arith.constant 0 : i32
    %dma_wait3A_73 = arith.constant 0 : i32
    %dma_wait3A_74 = arith.constant 0 : i32
    %dma_wait3A_75 = tpu.memref_slice %arg6[%dma_wait3A_71, %dma_wait3A_73, %dma_wait3A_74] : memref<3x64x512xf32, #tpu.memory_space<vmem>> -> memref<1x64x512xf32, #tpu.memory_space<vmem>>
    %dma_wait3A_76 = tpu.memref_squeeze %dma_wait3A_75 : memref<1x64x512xf32, #tpu.memory_space<vmem>> -> memref<64x512xf32, #tpu.memory_space<vmem>>
    %dma_wait3A_77 = arith.constant 0 : i32
    %dma_wait3A_78 = arith.constant 0 : i32
    %dma_wait3A_79 = tpu.memref_slice %arg4[%dma_wait3A_72, %dma_wait3A_77, %dma_wait3A_78] : memref<77x4096x512xf32, #tpu.memory_space<hbm>> -> memref<1x64x512xf32, #tpu.memory_space<hbm>>
    %dma_wait3A_80 = tpu.memref_squeeze %dma_wait3A_79 : memref<1x64x512xf32, #tpu.memory_space<hbm>> -> memref<64x512xf32, #tpu.memory_space<hbm>>
    %dma_wait3A_81 = arith.constant 0 : i32
    %dma_wait3A_82 = arith.constant 0 : i32
    %dma_wait3A_83 = tpu.memref_slice %arg4[%dma_wait3A_72, %dma_wait3A_81, %dma_wait3A_82] : memref<77x4096x512xf32, #tpu.memory_space<hbm>> -> memref<1x64x512xf32, #tpu.memory_space<hbm>>
    %dma_wait3A_84 = tpu.memref_squeeze %dma_wait3A_83 : memref<1x64x512xf32, #tpu.memory_space<hbm>> -> memref<64x512xf32, #tpu.memory_space<hbm>>
    %dma_wait3A_85 = arith.constant 0 : i32
    %dma_wait3A_86 = arith.constant 0 : i32
    %dma_wait3A_87 = tpu.memref_slice %arg6[%dma_wait3A_71, %dma_wait3A_85, %dma_wait3A_86] : memref<3x64x512xf32, #tpu.memory_space<vmem>> -> memref<1x64x512xf32, #tpu.memory_space<vmem>>
    %dma_wait3A_88 = tpu.memref_squeeze %dma_wait3A_87 : memref<1x64x512xf32, #tpu.memory_space<vmem>> -> memref<64x512xf32, #tpu.memory_space<vmem>>
    tpu.wait_dma2 semaphore(%arg10 : memref<!tpu.dma_semaphore, #tpu.memory_space<semaphore_mem>>) src(%dma_wait3A_88 : memref<64x512xf32, #tpu.memory_space<vmem>>) dst(%dma_wait3A_84 : memref<64x512xf32, #tpu.memory_space<hbm>>)
    %dma_start3A_89 = arith.constant 0 : i32
    %dma_start3A_90 = arith.constant 0 : i32
    %dma_start3A_91 = arith.constant 0 : i32
    %dma_start3A_92 = tpu.memref_slice %arg6[%dma_start3A_89, %dma_start3A_90, %dma_start3A_91] : memref<3x64x512xf32, #tpu.memory_space<vmem>> -> memref<1x64x512xf32, #tpu.memory_space<vmem>>
    %dma_start3A_93 = tpu.memref_squeeze %dma_start3A_92 : memref<1x64x512xf32, #tpu.memory_space<vmem>> -> memref<64x512xf32, #tpu.memory_space<vmem>>
    %dma_start3A_94 = arith.constant 9792 : i32
    %dma_start3A_95 = tpu.memref_slice %arg5[%dma_start3A_94] : memref<9856xi32, #tpu.memory_space<vmem>> -> memref<64xi32, #tpu.memory_space<vmem>>
    %dma_start3A_96 = arith.constant 0 : i32
    %dma_start3A_97 = arith.constant 0 : i32
    %dma_start3A_98 = tpu.memref_slice %arg2[%dma_start3A_96, %dma_start3A_97] : memref<80000x512xf32, #tpu.memory_space<hbm>> -> memref<80000x512xf32, #tpu.memory_space<hbm>>
    tpu.enqueue_indirect_dma source(%dma_start3A_98 : memref<80000x512xf32, #tpu.memory_space<hbm>>) target(%dma_start3A_93 : memref<64x512xf32, #tpu.memory_space<vmem>>) offsets(%dma_start3A_95 : memref<64xi32, #tpu.memory_space<vmem>>) semaphore(%arg7 : memref<!tpu.dma_semaphore, #tpu.memory_space<semaphore_mem>>)
    %dma_wait3A_99 = arith.constant 1 : i32
    %dma_wait3A_100 = arith.constant 0 : i32
    %dma_wait3A_101 = arith.constant 0 : i32
    %dma_wait3A_102 = tpu.memref_slice %arg6[%dma_wait3A_99, %dma_wait3A_100, %dma_wait3A_101] : memref<3x64x512xf32, #tpu.memory_space<vmem>> -> memref<1x64x512xf32, #tpu.memory_space<vmem>>
    %dma_wait3A_103 = tpu.memref_squeeze %dma_wait3A_102 : memref<1x64x512xf32, #tpu.memory_space<vmem>> -> memref<64x512xf32, #tpu.memory_space<vmem>>
    %dma_wait3A_104 = arith.constant 0 : i32
    %dma_wait3A_105 = arith.constant 0 : i32
    %dma_wait3A_106 = tpu.memref_slice %arg2[%dma_wait3A_104, %dma_wait3A_105] : memref<80000x512xf32, #tpu.memory_space<hbm>> -> memref<64x512xf32, #tpu.memory_space<hbm>>
    %dma_wait3A_107 = arith.constant 0 : i32
    %dma_wait3A_108 = arith.constant 0 : i32
    %dma_wait3A_109 = tpu.memref_slice %arg6[%dma_wait3A_99, %dma_wait3A_107, %dma_wait3A_108] : memref<3x64x512xf32, #tpu.memory_space<vmem>> -> memref<1x64x512xf32, #tpu.memory_space<vmem>>
    %dma_wait3A_110 = tpu.memref_squeeze %dma_wait3A_109 : memref<1x64x512xf32, #tpu.memory_space<vmem>> -> memref<64x512xf32, #tpu.memory_space<vmem>>
    %dma_wait3A_111 = arith.constant 0 : i32
    %dma_wait3A_112 = arith.constant 0 : i32
    %dma_wait3A_113 = tpu.memref_slice %arg2[%dma_wait3A_111, %dma_wait3A_112] : memref<80000x512xf32, #tpu.memory_space<hbm>> -> memref<64x512xf32, #tpu.memory_space<hbm>>
    tpu.wait_dma2 semaphore(%arg8 : memref<!tpu.dma_semaphore, #tpu.memory_space<semaphore_mem>>) src(%dma_wait3A_113 : memref<64x512xf32, #tpu.memory_space<hbm>>) dst(%dma_wait3A_110 : memref<64x512xf32, #tpu.memory_space<vmem>>)
    %add3A_114 = arith.constant 64 : i32
    %add3A_115 = arith.addi %mul3A_2, %add3A_114 : i32
    %dma_start3A_116 = arith.constant 1 : i32
    %dma_start3A_117 = arith.constant 75 : i32
    %dma_start3A_118 = arith.constant 0 : i32
    %dma_start3A_119 = arith.constant 0 : i32
    %dma_start3A_120 = tpu.memref_slice %arg6[%dma_start3A_116, %dma_start3A_118, %dma_start3A_119] : memref<3x64x512xf32, #tpu.memory_space<vmem>> -> memref<1x64x512xf32, #tpu.memory_space<vmem>>
    %dma_start3A_121 = tpu.memref_squeeze %dma_start3A_120 : memref<1x64x512xf32, #tpu.memory_space<vmem>> -> memref<64x512xf32, #tpu.memory_space<vmem>>
    %dma_start3A_122 = arith.constant 0 : i32
    %dma_start3A_123 = tpu.memref_slice %arg4[%dma_start3A_117, %add3A_115, %dma_start3A_122] : memref<77x4096x512xf32, #tpu.memory_space<hbm>> -> memref<1x64x512xf32, #tpu.memory_space<hbm>>
    %dma_start3A_124 = tpu.memref_squeeze %dma_start3A_123 : memref<1x64x512xf32, #tpu.memory_space<hbm>> -> memref<64x512xf32, #tpu.memory_space<hbm>>
    %dma_start3A_125 = arith.constant 0 : i32
    %dma_start3A_126 = tpu.memref_slice %arg4[%dma_start3A_117, %add3A_115, %dma_start3A_125] : memref<77x4096x512xf32, #tpu.memory_space<hbm>> -> memref<1x64x512xf32, #tpu.memory_space<hbm>>
    %dma_start3A_127 = tpu.memref_squeeze %dma_start3A_126 : memref<1x64x512xf32, #tpu.memory_space<hbm>> -> memref<64x512xf32, #tpu.memory_space<hbm>>
    %dma_start3A_128 = arith.constant 0 : i32
    %dma_start3A_129 = arith.constant 0 : i32
    %dma_start3A_130 = tpu.memref_slice %arg6[%dma_start3A_116, %dma_start3A_128, %dma_start3A_129] : memref<3x64x512xf32, #tpu.memory_space<vmem>> -> memref<1x64x512xf32, #tpu.memory_space<vmem>>
    %dma_start3A_131 = tpu.memref_squeeze %dma_start3A_130 : memref<1x64x512xf32, #tpu.memory_space<vmem>> -> memref<64x512xf32, #tpu.memory_space<vmem>>
    tpu.enqueue_dma source(%dma_start3A_131 : memref<64x512xf32, #tpu.memory_space<vmem>>) target(%dma_start3A_127 : memref<64x512xf32, #tpu.memory_space<hbm>>) target_semaphore(%arg11 : memref<!tpu.dma_semaphore, #tpu.memory_space<semaphore_mem>>)
    %dma_wait3A_132 = arith.constant 1 : i32
    %dma_wait3A_133 = arith.constant 0 : i32
    %dma_wait3A_134 = arith.constant 0 : i32
    %dma_wait3A_135 = arith.constant 0 : i32
    %dma_wait3A_136 = tpu.memref_slice %arg6[%dma_wait3A_132, %dma_wait3A_134, %dma_wait3A_135] : memref<3x64x512xf32, #tpu.memory_space<vmem>> -> memref<1x64x512xf32, #tpu.memory_space<vmem>>
    %dma_wait3A_137 = tpu.memref_squeeze %dma_wait3A_136 : memref<1x64x512xf32, #tpu.memory_space<vmem>> -> memref<64x512xf32, #tpu.memory_space<vmem>>
    %dma_wait3A_138 = arith.constant 0 : i32
    %dma_wait3A_139 = arith.constant 0 : i32
    %dma_wait3A_140 = tpu.memref_slice %arg4[%dma_wait3A_133, %dma_wait3A_138, %dma_wait3A_139] : memref<77x4096x512xf32, #tpu.memory_space<hbm>> -> memref<1x64x512xf32, #tpu.memory_space<hbm>>
    %dma_wait3A_141 = tpu.memref_squeeze %dma_wait3A_140 : memref<1x64x512xf32, #tpu.memory_space<hbm>> -> memref<64x512xf32, #tpu.memory_space<hbm>>
    %dma_wait3A_142 = arith.constant 0 : i32
    %dma_wait3A_143 = arith.constant 0 : i32
    %dma_wait3A_144 = tpu.memref_slice %arg4[%dma_wait3A_133, %dma_wait3A_142, %dma_wait3A_143] : memref<77x4096x512xf32, #tpu.memory_space<hbm>> -> memref<1x64x512xf32, #tpu.memory_space<hbm>>
    %dma_wait3A_145 = tpu.memref_squeeze %dma_wait3A_144 : memref<1x64x512xf32, #tpu.memory_space<hbm>> -> memref<64x512xf32, #tpu.memory_space<hbm>>
    %dma_wait3A_146 = arith.constant 0 : i32
    %dma_wait3A_147 = arith.constant 0 : i32
    %dma_wait3A_148 = tpu.memref_slice %arg6[%dma_wait3A_132, %dma_wait3A_146, %dma_wait3A_147] : memref<3x64x512xf32, #tpu.memory_space<vmem>> -> memref<1x64x512xf32, #tpu.memory_space<vmem>>
    %dma_wait3A_149 = tpu.memref_squeeze %dma_wait3A_148 : memref<1x64x512xf32, #tpu.memory_space<vmem>> -> memref<64x512xf32, #tpu.memory_space<vmem>>
    tpu.wait_dma2 semaphore(%arg11 : memref<!tpu.dma_semaphore, #tpu.memory_space<semaphore_mem>>) src(%dma_wait3A_149 : memref<64x512xf32, #tpu.memory_space<vmem>>) dst(%dma_wait3A_145 : memref<64x512xf32, #tpu.memory_space<hbm>>)
    %dma_wait3A_150 = arith.constant 2 : i32
    %dma_wait3A_151 = arith.constant 0 : i32
    %dma_wait3A_152 = arith.constant 0 : i32
    %dma_wait3A_153 = tpu.memref_slice %arg6[%dma_wait3A_150, %dma_wait3A_151, %dma_wait3A_152] : memref<3x64x512xf32, #tpu.memory_space<vmem>> -> memref<1x64x512xf32, #tpu.memory_space<vmem>>
    %dma_wait3A_154 = tpu.memref_squeeze %dma_wait3A_153 : memref<1x64x512xf32, #tpu.memory_space<vmem>> -> memref<64x512xf32, #tpu.memory_space<vmem>>
    %dma_wait3A_155 = arith.constant 0 : i32
    %dma_wait3A_156 = arith.constant 0 : i32
    %dma_wait3A_157 = tpu.memref_slice %arg2[%dma_wait3A_155, %dma_wait3A_156] : memref<80000x512xf32, #tpu.memory_space<hbm>> -> memref<64x512xf32, #tpu.memory_space<hbm>>
    %dma_wait3A_158 = arith.constant 0 : i32
    %dma_wait3A_159 = arith.constant 0 : i32
    %dma_wait3A_160 = tpu.memref_slice %arg6[%dma_wait3A_150, %dma_wait3A_158, %dma_wait3A_159] : memref<3x64x512xf32, #tpu.memory_space<vmem>> -> memref<1x64x512xf32, #tpu.memory_space<vmem>>
    %dma_wait3A_161 = tpu.memref_squeeze %dma_wait3A_160 : memref<1x64x512xf32, #tpu.memory_space<vmem>> -> memref<64x512xf32, #tpu.memory_space<vmem>>
    %dma_wait3A_162 = arith.constant 0 : i32
    %dma_wait3A_163 = arith.constant 0 : i32
    %dma_wait3A_164 = tpu.memref_slice %arg2[%dma_wait3A_162, %dma_wait3A_163] : memref<80000x512xf32, #tpu.memory_space<hbm>> -> memref<64x512xf32, #tpu.memory_space<hbm>>
    tpu.wait_dma2 semaphore(%arg9 : memref<!tpu.dma_semaphore, #tpu.memory_space<semaphore_mem>>) src(%dma_wait3A_164 : memref<64x512xf32, #tpu.memory_space<hbm>>) dst(%dma_wait3A_161 : memref<64x512xf32, #tpu.memory_space<vmem>>)
    %add3A_165 = arith.constant 0 : i32
    %add3A_166 = arith.addi %mul3A_2, %add3A_165 : i32
    %dma_start3A_167 = arith.constant 2 : i32
    %dma_start3A_168 = arith.constant 76 : i32
    %dma_start3A_169 = arith.constant 0 : i32
    %dma_start3A_170 = arith.constant 0 : i32
    %dma_start3A_171 = tpu.memref_slice %arg6[%dma_start3A_167, %dma_start3A_169, %dma_start3A_170] : memref<3x64x512xf32, #tpu.memory_space<vmem>> -> memref<1x64x512xf32, #tpu.memory_space<vmem>>
    %dma_start3A_172 = tpu.memref_squeeze %dma_start3A_171 : memref<1x64x512xf32, #tpu.memory_space<vmem>> -> memref<64x512xf32, #tpu.memory_space<vmem>>
    %dma_start3A_173 = arith.constant 0 : i32
    %dma_start3A_174 = tpu.memref_slice %arg4[%dma_start3A_168, %add3A_166, %dma_start3A_173] : memref<77x4096x512xf32, #tpu.memory_space<hbm>> -> memref<1x64x512xf32, #tpu.memory_space<hbm>>
    %dma_start3A_175 = tpu.memref_squeeze %dma_start3A_174 : memref<1x64x512xf32, #tpu.memory_space<hbm>> -> memref<64x512xf32, #tpu.memory_space<hbm>>
    %dma_start3A_176 = arith.constant 0 : i32
    %dma_start3A_177 = tpu.memref_slice %arg4[%dma_start3A_168, %add3A_166, %dma_start3A_176] : memref<77x4096x512xf32, #tpu.memory_space<hbm>> -> memref<1x64x512xf32, #tpu.memory_space<hbm>>
    %dma_start3A_178 = tpu.memref_squeeze %dma_start3A_177 : memref<1x64x512xf32, #tpu.memory_space<hbm>> -> memref<64x512xf32, #tpu.memory_space<hbm>>
    %dma_start3A_179 = arith.constant 0 : i32
    %dma_start3A_180 = arith.constant 0 : i32
    %dma_start3A_181 = tpu.memref_slice %arg6[%dma_start3A_167, %dma_start3A_179, %dma_start3A_180] : memref<3x64x512xf32, #tpu.memory_space<vmem>> -> memref<1x64x512xf32, #tpu.memory_space<vmem>>
    %dma_start3A_182 = tpu.memref_squeeze %dma_start3A_181 : memref<1x64x512xf32, #tpu.memory_space<vmem>> -> memref<64x512xf32, #tpu.memory_space<vmem>>
    tpu.enqueue_dma source(%dma_start3A_182 : memref<64x512xf32, #tpu.memory_space<vmem>>) target(%dma_start3A_178 : memref<64x512xf32, #tpu.memory_space<hbm>>) target_semaphore(%arg12 : memref<!tpu.dma_semaphore, #tpu.memory_space<semaphore_mem>>)
    %dma_wait3A_183 = arith.constant 2 : i32
    %dma_wait3A_184 = arith.constant 0 : i32
    %dma_wait3A_185 = arith.constant 0 : i32
    %dma_wait3A_186 = arith.constant 0 : i32
    %dma_wait3A_187 = tpu.memref_slice %arg6[%dma_wait3A_183, %dma_wait3A_185, %dma_wait3A_186] : memref<3x64x512xf32, #tpu.memory_space<vmem>> -> memref<1x64x512xf32, #tpu.memory_space<vmem>>
    %dma_wait3A_188 = tpu.memref_squeeze %dma_wait3A_187 : memref<1x64x512xf32, #tpu.memory_space<vmem>> -> memref<64x512xf32, #tpu.memory_space<vmem>>
    %dma_wait3A_189 = arith.constant 0 : i32
    %dma_wait3A_190 = arith.constant 0 : i32
    %dma_wait3A_191 = tpu.memref_slice %arg4[%dma_wait3A_184, %dma_wait3A_189, %dma_wait3A_190] : memref<77x4096x512xf32, #tpu.memory_space<hbm>> -> memref<1x64x512xf32, #tpu.memory_space<hbm>>
    %dma_wait3A_192 = tpu.memref_squeeze %dma_wait3A_191 : memref<1x64x512xf32, #tpu.memory_space<hbm>> -> memref<64x512xf32, #tpu.memory_space<hbm>>
    %dma_wait3A_193 = arith.constant 0 : i32
    %dma_wait3A_194 = arith.constant 0 : i32
    %dma_wait3A_195 = tpu.memref_slice %arg4[%dma_wait3A_184, %dma_wait3A_193, %dma_wait3A_194] : memref<77x4096x512xf32, #tpu.memory_space<hbm>> -> memref<1x64x512xf32, #tpu.memory_space<hbm>>
    %dma_wait3A_196 = tpu.memref_squeeze %dma_wait3A_195 : memref<1x64x512xf32, #tpu.memory_space<hbm>> -> memref<64x512xf32, #tpu.memory_space<hbm>>
    %dma_wait3A_197 = arith.constant 0 : i32
    %dma_wait3A_198 = arith.constant 0 : i32
    %dma_wait3A_199 = tpu.memref_slice %arg6[%dma_wait3A_183, %dma_wait3A_197, %dma_wait3A_198] : memref<3x64x512xf32, #tpu.memory_space<vmem>> -> memref<1x64x512xf32, #tpu.memory_space<vmem>>
    %dma_wait3A_200 = tpu.memref_squeeze %dma_wait3A_199 : memref<1x64x512xf32, #tpu.memory_space<vmem>> -> memref<64x512xf32, #tpu.memory_space<vmem>>
    tpu.wait_dma2 semaphore(%arg12 : memref<!tpu.dma_semaphore, #tpu.memory_space<semaphore_mem>>) src(%dma_wait3A_200 : memref<64x512xf32, #tpu.memory_space<vmem>>) dst(%dma_wait3A_196 : memref<64x512xf32, #tpu.memory_space<hbm>>)
    %dma_wait3A_201 = arith.constant 0 : i32
    %dma_wait3A_202 = arith.constant 0 : i32
    %dma_wait3A_203 = arith.constant 0 : i32
    %dma_wait3A_204 = tpu.memref_slice %arg6[%dma_wait3A_201, %dma_wait3A_202, %dma_wait3A_203] : memref<3x64x512xf32, #tpu.memory_space<vmem>> -> memref<1x64x512xf32, #tpu.memory_space<vmem>>
    %dma_wait3A_205 = tpu.memref_squeeze %dma_wait3A_204 : memref<1x64x512xf32, #tpu.memory_space<vmem>> -> memref<64x512xf32, #tpu.memory_space<vmem>>
    %dma_wait3A_206 = arith.constant 0 : i32
    %dma_wait3A_207 = arith.constant 0 : i32
    %dma_wait3A_208 = tpu.memref_slice %arg2[%dma_wait3A_206, %dma_wait3A_207] : memref<80000x512xf32, #tpu.memory_space<hbm>> -> memref<64x512xf32, #tpu.memory_space<hbm>>
    %dma_wait3A_209 = arith.constant 0 : i32
    %dma_wait3A_210 = arith.constant 0 : i32
    %dma_wait3A_211 = tpu.memref_slice %arg6[%dma_wait3A_201, %dma_wait3A_209, %dma_wait3A_210] : memref<3x64x512xf32, #tpu.memory_space<vmem>> -> memref<1x64x512xf32, #tpu.memory_space<vmem>>
    %dma_wait3A_212 = tpu.memref_squeeze %dma_wait3A_211 : memref<1x64x512xf32, #tpu.memory_space<vmem>> -> memref<64x512xf32, #tpu.memory_space<vmem>>
    %dma_wait3A_213 = arith.constant 0 : i32
    %dma_wait3A_214 = arith.constant 0 : i32
    %dma_wait3A_215 = tpu.memref_slice %arg2[%dma_wait3A_213, %dma_wait3A_214] : memref<80000x512xf32, #tpu.memory_space<hbm>> -> memref<64x512xf32, #tpu.memory_space<hbm>>
    tpu.wait_dma2 semaphore(%arg7 : memref<!tpu.dma_semaphore, #tpu.memory_space<semaphore_mem>>) src(%dma_wait3A_215 : memref<64x512xf32, #tpu.memory_space<hbm>>) dst(%dma_wait3A_212 : memref<64x512xf32, #tpu.memory_space<vmem>>)
    %add3A_216 = arith.constant 64 : i32
    %add3A_217 = arith.addi %mul3A_2, %add3A_216 : i32
    %dma_start3A_218 = arith.constant 0 : i32
    %dma_start3A_219 = arith.constant 76 : i32
    %dma_start3A_220 = arith.constant 0 : i32
    %dma_start3A_221 = arith.constant 0 : i32
    %dma_start3A_222 = tpu.memref_slice %arg6[%dma_start3A_218, %dma_start3A_220, %dma_start3A_221] : memref<3x64x512xf32, #tpu.memory_space<vmem>> -> memref<1x64x512xf32, #tpu.memory_space<vmem>>
    %dma_start3A_223 = tpu.memref_squeeze %dma_start3A_222 : memref<1x64x512xf32, #tpu.memory_space<vmem>> -> memref<64x512xf32, #tpu.memory_space<vmem>>
    %dma_start3A_224 = arith.constant 0 : i32
    %dma_start3A_225 = tpu.memref_slice %arg4[%dma_start3A_219, %add3A_217, %dma_start3A_224] : memref<77x4096x512xf32, #tpu.memory_space<hbm>> -> memref<1x64x512xf32, #tpu.memory_space<hbm>>
    %dma_start3A_226 = tpu.memref_squeeze %dma_start3A_225 : memref<1x64x512xf32, #tpu.memory_space<hbm>> -> memref<64x512xf32, #tpu.memory_space<hbm>>
    %dma_start3A_227 = arith.constant 0 : i32
    %dma_start3A_228 = tpu.memref_slice %arg4[%dma_start3A_219, %add3A_217, %dma_start3A_227] : memref<77x4096x512xf32, #tpu.memory_space<hbm>> -> memref<1x64x512xf32, #tpu.memory_space<hbm>>
    %dma_start3A_229 = tpu.memref_squeeze %dma_start3A_228 : memref<1x64x512xf32, #tpu.memory_space<hbm>> -> memref<64x512xf32, #tpu.memory_space<hbm>>
    %dma_start3A_230 = arith.constant 0 : i32
    %dma_start3A_231 = arith.constant 0 : i32
    %dma_start3A_232 = tpu.memref_slice %arg6[%dma_start3A_218, %dma_start3A_230, %dma_start3A_231] : memref<3x64x512xf32, #tpu.memory_space<vmem>> -> memref<1x64x512xf32, #tpu.memory_space<vmem>>
    %dma_start3A_233 = tpu.memref_squeeze %dma_start3A_232 : memref<1x64x512xf32, #tpu.memory_space<vmem>> -> memref<64x512xf32, #tpu.memory_space<vmem>>
    tpu.enqueue_dma source(%dma_start3A_233 : memref<64x512xf32, #tpu.memory_space<vmem>>) target(%dma_start3A_229 : memref<64x512xf32, #tpu.memory_space<hbm>>) target_semaphore(%arg10 : memref<!tpu.dma_semaphore, #tpu.memory_space<semaphore_mem>>)
    %dma_wait3A_234 = arith.constant 0 : i32
    %dma_wait3A_235 = arith.constant 0 : i32
    %dma_wait3A_236 = arith.constant 0 : i32
    %dma_wait3A_237 = arith.constant 0 : i32
    %dma_wait3A_238 = tpu.memref_slice %arg6[%dma_wait3A_234, %dma_wait3A_236, %dma_wait3A_237] : memref<3x64x512xf32, #tpu.memory_space<vmem>> -> memref<1x64x512xf32, #tpu.memory_space<vmem>>
    %dma_wait3A_239 = tpu.memref_squeeze %dma_wait3A_238 : memref<1x64x512xf32, #tpu.memory_space<vmem>> -> memref<64x512xf32, #tpu.memory_space<vmem>>
    %dma_wait3A_240 = arith.constant 0 : i32
    %dma_wait3A_241 = arith.constant 0 : i32
    %dma_wait3A_242 = tpu.memref_slice %arg4[%dma_wait3A_235, %dma_wait3A_240, %dma_wait3A_241] : memref<77x4096x512xf32, #tpu.memory_space<hbm>> -> memref<1x64x512xf32, #tpu.memory_space<hbm>>
    %dma_wait3A_243 = tpu.memref_squeeze %dma_wait3A_242 : memref<1x64x512xf32, #tpu.memory_space<hbm>> -> memref<64x512xf32, #tpu.memory_space<hbm>>
    %dma_wait3A_244 = arith.constant 0 : i32
    %dma_wait3A_245 = arith.constant 0 : i32
    %dma_wait3A_246 = tpu.memref_slice %arg4[%dma_wait3A_235, %dma_wait3A_244, %dma_wait3A_245] : memref<77x4096x512xf32, #tpu.memory_space<hbm>> -> memref<1x64x512xf32, #tpu.memory_space<hbm>>
    %dma_wait3A_247 = tpu.memref_squeeze %dma_wait3A_246 : memref<1x64x512xf32, #tpu.memory_space<hbm>> -> memref<64x512xf32, #tpu.memory_space<hbm>>
    %dma_wait3A_248 = arith.constant 0 : i32
    %dma_wait3A_249 = arith.constant 0 : i32
    %dma_wait3A_250 = tpu.memref_slice %arg6[%dma_wait3A_234, %dma_wait3A_248, %dma_wait3A_249] : memref<3x64x512xf32, #tpu.memory_space<vmem>> -> memref<1x64x512xf32, #tpu.memory_space<vmem>>
    %dma_wait3A_251 = tpu.memref_squeeze %dma_wait3A_250 : memref<1x64x512xf32, #tpu.memory_space<vmem>> -> memref<64x512xf32, #tpu.memory_space<vmem>>
    tpu.wait_dma2 semaphore(%arg10 : memref<!tpu.dma_semaphore, #tpu.memory_space<semaphore_mem>>) src(%dma_wait3A_251 : memref<64x512xf32, #tpu.memory_space<vmem>>) dst(%dma_wait3A_247 : memref<64x512xf32, #tpu.memory_space<hbm>>)
    return
  }
}

module attributes {stable_mosaic.version = 14 : i64} {
  func.func @body(%arg0: i32, %arg1: memref<1x5x512xf32, #tpu.memory_space<vmem>>, %arg2: memref<40x8x512xf32, #tpu.memory_space<vmem>>, %arg3: memref<40x64x512xf32, #tpu.memory_space<vmem>>, %arg4: memref<80x40x512xf32, #tpu.memory_space<vmem>>) attributes {dimension_semantics = [#tpu.dimension_semantics<arbitrary>], iteration_bounds = array<i64: 25>, scalar_prefetch = 0 : i64, scratch_operands = 0 : i64, tpu.core_type = #tpu.core_type<tc>, window_params = [{pipeline_mode = #tpu.pipeline_mode<synchronous>, transform_indices = @transform_0, window_bounds = array<i64: 1, 5, 512>}, {transform_indices = @transform_1, window_bounds = array<i64: 40, 8, 512>}, {transform_indices = @transform_2, window_bounds = array<i64: 40, 64, 512>}, {transform_indices = @transform_3, window_bounds = array<i64: 80, 40, 512>}]} {
    %get3A = arith.constant 0 : index
    %get3A_0 = arith.constant 0 : index
    %get3A_1 = arith.constant 0 : index
    %get3A_2 = vector.load %arg1[%get3A, %get3A_0, %get3A_1] : memref<1x5x512xf32, #tpu.memory_space<vmem>>, vector<1x5x512xf32>
    %get3A_3 = vector.shape_cast %get3A_2 : vector<1x5x512xf32> to vector<5x512xf32>
    %broadcast_in_dim3A = vector.shape_cast %get3A_3 : vector<5x512xf32> to vector<5x1x512xf32>
    %broadcast_in_dim3A_4 = vector.shape_cast %broadcast_in_dim3A : vector<5x1x512xf32> to vector<5x1x512xf32>
    %broadcast_in_dim3A_5 = vector.broadcast %broadcast_in_dim3A_4 : vector<5x1x512xf32> to vector<5x40x512xf32>
    %swap3A = arith.constant 0 : index
    %swap3A_6 = arith.constant 0 : index
    %swap3A_7 = arith.constant 0 : index
    %swap3A_8 = vector.load %arg4[%swap3A, %swap3A_6, %swap3A_7] : memref<80x40x512xf32, #tpu.memory_space<vmem>>, vector<5x40x512xf32>
    tpu.vector_store %arg4[%swap3A, %swap3A_6, %swap3A_7], %broadcast_in_dim3A_5 {strides = array<i32>} : memref<80x40x512xf32, #tpu.memory_space<vmem>>, vector<5x40x512xf32>,
    %get3A_9 = arith.constant 0 : index
    %get3A_10 = arith.constant 0 : index
    %get3A_11 = arith.constant 0 : index
    %get3A_12 = vector.load %arg2[%get3A_9, %get3A_10, %get3A_11] : memref<40x8x512xf32, #tpu.memory_space<vmem>>, vector<40x8x512xf32>
    %transpose3A = tpu.transpose %get3A_12, [1, 0, 2] : vector<40x8x512xf32> -> vector<8x40x512xf32>
    %swap3A_13 = arith.constant 5 : index
    %swap3A_14 = arith.constant 0 : index
    %swap3A_15 = arith.constant 0 : index
    %swap3A_16 = vector.load %arg4[%swap3A_13, %swap3A_14, %swap3A_15] : memref<80x40x512xf32, #tpu.memory_space<vmem>>, vector<8x40x512xf32>
    tpu.vector_store %arg4[%swap3A_13, %swap3A_14, %swap3A_15], %transpose3A {strides = array<i32>} : memref<80x40x512xf32, #tpu.memory_space<vmem>>, vector<8x40x512xf32>,
    %get3A_17 = arith.constant 0 : index
    %get3A_18 = arith.constant 0 : index
    %get3A_19 = arith.constant 0 : index
    %get3A_20 = vector.load %arg3[%get3A_17, %get3A_18, %get3A_19] : memref<40x64x512xf32, #tpu.memory_space<vmem>>, vector<40x64x512xf32>
    %transpose3A_21 = tpu.transpose %get3A_20, [1, 0, 2] : vector<40x64x512xf32> -> vector<64x40x512xf32>
    %swap3A_22 = arith.constant 13 : index
    %swap3A_23 = arith.constant 0 : index
    %swap3A_24 = arith.constant 0 : index
    %swap3A_25 = vector.load %arg4[%swap3A_22, %swap3A_23, %swap3A_24] : memref<80x40x512xf32, #tpu.memory_space<vmem>>, vector<64x40x512xf32>
    tpu.vector_store %arg4[%swap3A_22, %swap3A_23, %swap3A_24], %transpose3A_21 {strides = array<i32>} : memref<80x40x512xf32, #tpu.memory_space<vmem>>, vector<64x40x512xf32>,
    %broadcast_in_dim3A_26 = arith.constant 0.000000e+00 : f32
    %broadcast_in_dim3A_27 = vector.broadcast %broadcast_in_dim3A_26 : f32 to vector<3x40x512xf32>
    %swap3A_28 = arith.constant 77 : index
    %swap3A_29 = arith.constant 0 : index
    %swap3A_30 = arith.constant 0 : index
    %swap3A_31 = vector.load %arg4[%swap3A_28, %swap3A_29, %swap3A_30] : memref<80x40x512xf32, #tpu.memory_space<vmem>>, vector<3x40x512xf32>
    tpu.vector_store %arg4[%swap3A_28, %swap3A_29, %swap3A_30], %broadcast_in_dim3A_27 {strides = array<i32>} : memref<80x40x512xf32, #tpu.memory_space<vmem>>, vector<3x40x512xf32>,
    return
  }
  func.func @transform_0(%arg0: i32) -> (i32, i32, i32) {
    %c0_i32 = arith.constant 0 : i32
    %c0_i32_0 = arith.constant 0 : i32
    %c0_i32_1 = arith.constant 0 : i32
    %c0_i32_2 = arith.constant 0 : i32
    return %c0_i32, %c0_i32_0, %c0_i32_1 : i32, i32, i32
  }
  func.func @transform_1(%arg0: i32) -> (i32, i32, i32) {
    %c0_i32 = arith.constant 0 : i32
    %c0_i32_0 = arith.constant 0 : i32
    %c0_i32_1 = arith.constant 0 : i32
    return %arg0, %c0_i32, %c0_i32_0 : i32, i32, i32
  }
  func.func @transform_2(%arg0: i32) -> (i32, i32, i32) {
    %c0_i32 = arith.constant 0 : i32
    %c0_i32_0 = arith.constant 0 : i32
    %c0_i32_1 = arith.constant 0 : i32
    return %arg0, %c0_i32, %c0_i32_0 : i32, i32, i32
  }
  func.func @transform_3(%arg0: i32) -> (i32, i32, i32) {
    %c0_i32 = arith.constant 0 : i32
    %c0_i32_0 = arith.constant 0 : i32
    %c0_i32_1 = arith.constant 0 : i32
    return %c0_i32, %arg0, %c0_i32_0 : i32, i32, i32
  }
}

</mosaic_0001>

<sc_bundles>
// kernel: kernel.4.cloned.1.call-start
scs
__scs_entry_jumppad:
0x0: {  	(pc) =	sbr.rel $0x88, $3  }
0x1: {  	(tag) =	ssettag $0x0;
	lr =	simm.s32 $0x1  }
0x2: {  	[smem:$0x3F9D] =	sst lr;
	_ =	strace $0xD0000000  }
0x3: {  	_ = 	snop  }
0x4: {  	_ = 	snop  }
0x5: {  	_ = 	snop  }
0x6: {  	_ = 	snop  }
0x7: {  	_ = 	snop  }
__scs_overlays_trampoline_lowered:
0x8: {  	[smem:$0x3FAC] =	sst s0  }
0x9: {  	[smem:$0x3FAD] =	sst s1  }
0xa: {  	[smem:$0x3FAE] =	sst s2  }
0xb: {  	[smem:$0x3FAF] =	sst s3  }
0xc: {  	[smem:$0x3FB0] =	sst s4  }
0xd: {  	[smem:$0x3FB1] =	sst s5  }
0xe: {  	[smem:$0x3FB2] =	sst s6  }
0xf: {  	[smem:$0x3FB3] =	sst s7  }
0x10: {  	[smem:$0x3FB4] =	sst s8  }
0x11: {  	[smem:$0x3FB5] =	sst s9;
	s0 =	simm.s32 @!p0 $0x0  }
0x12: {  	s1 =	sld [smem:$0x3F9B];
	s0 =	simm.s32 @p0 $0x1  }
0x13: {  	[smem:$0x3FB6] =	sst s0;
	s0 =	simm.s32 @!p1 $0x0  }
0x14: {  	s2 =	sld [smem:$0x3F9A];
	s0 =	simm.s32 @p1 $0x1  }
0x15: {  	[smem:$0x3FB7] =	sst s0;
	s0 =	simm.s32 @!p2 $0x0  }
0x16: {  	s3 =	sld [smem:$0x3FDB];
	s0 =	simm.s32 @p2 $0x1  }
0x17: {  	s4 =	simm.s32 $0x1BF5;
	[smem:$0x3FB9] =	sst s0  }
0x18: {  	s0 =	sld [smem:$0x3F9C];
	_ =	swait.ge [sflag:s4], $0x0  }
0x19: {  	s7 =	sld [smem:$0x3F9D]  }
0x1a: {  	s8 =	sadd.s32 $0xFFFFE003, lr  }
0x1b: {  	s9 =	sadd.s32 $0xFFFFFEF7, lr;
	s5 =	simm.s32 $0xFFFFFFFF;
	p2 =	slt.u32 s8, $0xFFFFF086  }
0x1c: {  	p1 =	slt.u32 s9, $0xF7A;
	s5 =	simm.s32 @!p2 $0x0  }
0x1d: {  	s5 =	simm.s32 @p1 $0x1;
	p0 =	seq.s32 s7, s2  }
0x1e: {  	s7 =	smul.u32 @!p0 $0xF7A, s2;
	p2 =	seq.s32 @!p0 s5, $0x0  }
0x1f: {  	s9 =	smul.u32 $0xF7A, s1;
	s8 =	simm.s32 @!p0 $0x1BF5;
	p2 =	por !p2, p0  }
0x20: {  	[sflag:s8] =	ssyncset.s32 @!p0 $0xFFFFF086;
	s6 =	sadd.s32 @!p0 s3, s7;
	s7 =	simm.s32 @!p0 $0x108  }
0x21: {  	s3 =	sadd.s32 s3, s9;
	s6 =	sadd.s32 @!p0 $0x88, s6;
	s7 =	simm.s32 @p2 $0x1082  }
0x22: {  	[simem:s7], [sflag:s8] =	dma.local @!p0 [hbm:s6], $0xF7A  }
0x23: {  	s9 =	sor.u32 $0xD0000000, s2;
	s6 =	simm.s32 $0x108;
	_ =	swait.ge @!p0 [sflag:s8], $0x0  }
0x24: {  	s3 =	sadd.s32 $0x88, s3;
	s6 =	simm.s32 @!p1 $0x1082;
	[sflag:s4] =	ssyncset.s32 $0xFFFFF086  }
0x25: {  	[simem:s6], [sflag:s4] =	dma.local [hbm:s3], $0xF7A  }
0x26: {  	[smem:$0x3F9D] =	sst s1;
	(tag) =	ssettag s2;
	_ =	strace s9  }
0x27: {  	s1 =	sld [smem:$0x3FAD]  }
0x28: {  	s2 =	sld [smem:$0x3FAE]  }
0x29: {  	s4 =	sld [smem:$0x3FB0]  }
0x2a: {  	p0 =	seq.s32 s5, $0x0;
	s5 =	sld [smem:$0x3FB1]  }
0x2b: {  	s6 =	sld [smem:$0x3FB2]  }
0x2c: {  	s7 =	sld [smem:$0x3FB3]  }
0x2d: {  	s3 =	simm.s32 $0x108;
	s8 =	sld [smem:$0x3FB4]  }
0x2e: {  	s3 =	simm.s32 @!p0 $0x1082;
	s9 =	sld [smem:$0x3FB5]  }
0x2f: {  	lr =	sadd.s32 s0, s3;
	s0 =	sld [smem:$0x3FAC]  }
0x30: {  	s3 =	sld [smem:$0x3FAF]  }
0x31: {  	[smem:$0x3FB8] =	sst s10  }
0x32: {  	s10 =	sld [smem:$0x3FB6];
	_ =	sdelay $0x3  }
0x33: {  	p0 =	seq.s32 s10, $0x1;
	s10 =	sld [smem:$0x3FB8];
	_ =	sdelay $0x3  }
0x34: {  	[smem:$0x3FB8] =	sst s10  }
0x35: {  	s10 =	sld [smem:$0x3FB7];
	_ =	sdelay $0x3  }
0x36: {  	p1 =	seq.s32 s10, $0x1;
	s10 =	sld [smem:$0x3FB8];
	_ =	sdelay $0x3  }
0x37: {  	[smem:$0x3FB8] =	sst s10  }
0x38: {  	s10 =	sld [smem:$0x3FB9]  }
0x39: {  	_ = 	snop;
	(pc) =	sbr.ind lr, $3  }
0x3a: {  	_ = 	snop  }
0x3b: {  	_ = 	snop  }
0x3c: {  	p2 =	seq.s32 s10, $0x1;
	s10 =	sld [smem:$0x3FB8]  }
0x3d: {  	_ =	shalt  }
0x3e: {  	_ =	shalt  }
0x3f: {  	_ =	shalt  }
0x40: {  	_ =	shalt  }
0x41: {  	_ =	shalt  }
0x42: {  	_ =	shalt  }
0x43: {  	_ =	shalt  }
0x44: {  	_ =	shalt  }
0x45: {  	_ =	shalt  }
0x46: {  	_ =	shalt  }
0x47: {  	_ =	shalt  }
0x48: {  	_ =	shalt  }
0x49: {  	_ =	shalt  }
0x4a: {  	_ =	shalt  }
0x4b: {  	_ =	shalt  }
0x4c: {  	_ =	shalt  }
0x4d: {  	_ =	shalt  }
0x4e: {  	_ =	shalt  }
0x4f: {  	_ =	shalt  }
0x50: {  	_ =	shalt  }
0x51: {  	_ =	shalt  }
0x52: {  	_ =	shalt  }
0x53: {  	_ =	shalt  }
0x54: {  	_ =	shalt  }
0x55: {  	_ =	shalt  }
0x56: {  	_ =	shalt  }
0x57: {  	_ =	shalt  }
0x58: {  	_ =	shalt  }
0x59: {  	_ =	shalt  }
0x5a: {  	_ =	shalt  }
0x5b: {  	_ =	shalt  }
0x5c: {  	_ =	shalt  }
0x5d: {  	_ =	shalt  }
0x5e: {  	_ =	shalt  }
0x5f: {  	_ =	shalt  }
0x60: {  	_ =	shalt  }
0x61: {  	_ =	shalt  }
0x62: {  	_ =	shalt  }
0x63: {  	_ =	shalt  }
0x64: {  	_ =	shalt  }
0x65: {  	_ =	shalt  }
0x66: {  	_ =	shalt  }
0x67: {  	_ =	shalt  }
0x68: {  	_ =	shalt  }
0x69: {  	_ =	shalt  }
0x6a: {  	_ =	shalt  }
0x6b: {  	_ =	shalt  }
0x6c: {  	_ =	shalt  }
0x6d: {  	_ =	shalt  }
0x6e: {  	_ =	shalt  }
0x6f: {  	_ =	shalt  }
0x70: {  	_ =	shalt  }
0x71: {  	_ =	shalt  }
0x72: {  	_ =	shalt  }
0x73: {  	_ =	shalt  }
0x74: {  	_ =	shalt  }
0x75: {  	_ =	shalt  }
0x76: {  	_ =	shalt  }
0x77: {  	_ =	shalt  }
0x78: {  	_ =	shalt  }
0x79: {  	_ =	shalt  }
0x7a: {  	_ =	shalt  }
0x7b: {  	_ =	shalt  }
0x7c: {  	_ =	shalt  }
0x7d: {  	_ =	shalt  }
0x7e: {  	_ =	shalt  }
0x7f: {  	_ =	shalt  }
0x80: {  	_ =	shalt  }
0x81: {  	_ =	shalt  }
0x82: {  	_ =	shalt  }
0x83: {  	_ =	shalt  }
0x84: {  	_ =	shalt  }
0x85: {  	_ =	shalt  }
0x86: {  	_ =	shalt  }
0x87: {  	_ =	shalt  }
.Lfunc_end0:
.L_simem_size_0:
called_computation_lowered:
.L_overlay_start_0:
0x88: {  	s2 =	sld [smem:$0x3FD9]  }
0x89: {  	s3 =	sld [smem:$0x3FFE];
	_ =	sdelay $0x1  }
0x8a: {  	s1 =	srdreg.scid  }
0x8b: {  	s0 =	sand.u32 $0x1, s1  }
0x8c: {  	s17 =	sshll.u32 s0, $0xA;
	s2 =	sadd.s32 s3, s2  }
0x8d: {  	s2 =	sadd.s32 s2, s17  }
0x8e: {  	[smem:$0x3FC4] =	sst s2  }
0x8f: {  	_ = 	snop  }
0x90: {  	s2 =	sld [smem:$0x3FD0];
	(tm) =	ssettm $0x1  }
0x91: {  	s18 =	sld [smem:$0x3FFB];
	_ =	sdelay $0x3  }
0x92: {  	_ =	strace s18  }
0x93: {  	s3 =	sld [smem:$0x3FFC];
	_ =	sdelay $0x3  }
0x94: {  	_ =	strace s3  }
0x95: {  	s3 =	sld [smem:$0x3FFD];
	_ =	sdelay $0x3  }
0x96: {  	_ =	strace s3  }
0x97: {  	_ =	strace $0x8FFFFFFF  }
0x98: {  	s19 =	sld [smem:$0x3FDB];
	_ =	sdelay $0x1  }
0x99: {  	s4 =	simm.s32 $_scs_section_size  }
0x9a: {  	s5 =	simm.s32 $_size__tile_overlayer_lowered;
	s6 =	simm.s32 $_tile_overlayer_lowered  }
0x9b: {  	s22 =	simm.s32 $0x1BFF;
	s21 =	sshll.u32 s6, $0x1;
	s3 =	sadd.s32 s4, s19  }
0x9c: {  	s7 =	simm.s32 $0x0;
	s20 =	sshll.u32 s5, $0x1;
	s5 =	sadd.s32 s21, s3  }
0x9d: {  	[timem:s7], [sflag:s22] =	dma.local [hbm:s5], s20  }
0x9e: {  	_ =	swait.ge [sflag:s22], s20  }
0x9f: {  	s4 =	ssub.s32 $0x0, s20;
	[sflag:s22] =	ssyncset.done $0x0  }
0xa0: {  	[sflag:s22] =	ssyncadd.s32 s4;
	_ =	sdelay $0x1  }
0xa1: {  	s23 =	simm.s32 $0x1B8B  }
0xa2: {  	_ =	swait.ge [sflag:s23], $0x1  }
0xa3: {  	[sflag:s23] =	ssyncset.done $0x0  }
0xa4: {  	s25 =	simm.s32 $0x1B8E;
	s24 =	sld [smem:$0x3FFE];
	[sflag:s23] =	ssyncadd.s32 $0xFFFFFFFF  }
0xa5: {  	s26 =	simm.s32 $execute0_lowered;
	[smem:$0x3FD2] =	sst s25  }
0xa6: {  	s5 =	sshll.u32 s26, $0x1;
	_ =	strace $0x80000046;
	[dreg:$0x1] =	wrdreg $0xFFFFFFFF  }
0xa7: {  	s28 =	simm.s32 $_size_execute0_lowered;
	s3 =	sadd.s32 s3, s5;
	[dreg:$0x0] =	wrdreg $0x0  }
0xa8: {  	s5 =	sshll.u32 s28, $0x1;
	[dreg:$0x2] =	wrdreg s3  }
0xa9: {  	[dreg:$0x3] =	wrdreg s5  }
0xaa: {  	[dreg:$0x4] =	wrdreg $0xC0  }
0xab: {  	_ =	task [dreg:s7], $0x5FFFF  }
0xac: {  	[dreg:$0x1] =	wrdreg $0xFFFFFFFF  }
0xad: {  	[dreg:$0x0] =	wrdreg $0x60  }
0xae: {  	[dreg:$0x2] =	wrdreg s24  }
0xaf: {  	[dreg:$0x3] =	wrdreg s2  }
0xb0: {  	[dreg:$0x4] =	wrdreg $0x9  }
0xb1: {  	_ =	task.clear_ibuf [dreg:s7], $0x5FFFF;
	_ =	strace $0x90000046  }
0xb2: {  	s29 =	simm.s32 $0x9;
	_ =	strace $0x80000048  }
0xb3: {  	_ =	swait.ge [sflag:s29], $0x1  }
0xb4: {  	[sflag:s29] =	ssyncadd.s32 $0xFFFFFFFF  }
0xb5: {  	_ =	strace $0x90000048  }
0xb6: {  	_ =	sfence  }
0xb7: {  	s30 =	sld [smem:$0x0];
	_ =	sdelay $0x2  }
0xb8: {  	s31 =	sshll.u32 s1, $0xD;
	s1 =	sshrl.u32 s1, $0x2  }
0xb9: {  	s3 =	sand.u32 $0x4000, s31;
	s1 =	sadd.s32 s1, s30  }
0xba: {  	s0 =	sor.u32 s3, s0;
	s1 =	sshll.u32 s1, $0x11  }
0xbb: {  	s0 =	sor.u32 s1, s0  }
0xbc: {  	s0 =	sadd.s32 $0x8F2B, s0  }
0xbd: {  	[sflag:s0] =	ssyncadd.remote.s32 $0x1  }
0xbe: {  	_ =	sfence.sel $0xFFFF  }
0xbf: {  	[dreg:$0x0] =	wrdreg $0xFFFFFFFF;
	(pc) =	sbr.abs _section_cstart, $3  }
0xc0: {  	[dreg:$0x1] =	wrdreg $0xFFFFFFFF  }
0xc1: {  	_ =	task.clear_ibuf [dreg:s7], $0x2FFFF;
	_ =	strace $0x9FFFFFFF  }
0xc2: {  	(tm) =	ssettm $0x7FFFFFFF  }
0xc3: {  	_ =	shalt  }
tec
execute0_lowered:
.L_overlay_start_1:
0x0: {  	(tag) =	ssettag $0x1  }
0x1: {  	s0 =	srdreg.scid;
	s1 =	rddreg [dreg:$0x0]  }
0x2: {  	s9 =	stileid.u32;
	s4 =	rddreg [dreg:$0x1];
	s30 =	simm.s32 $0x3E80  }
0x3: {  	s31 =	simm.s32 $0x4E80;
	s29 =	simm.s32 $0xA680;
	s28 =	simm.s32 $0x5  }
0x4: {  	s0 =	sand.u32 $0x1, s0;
	s2 =	sshll.u32 s9, $0x1;
	s12 =	sshll.u32 s9, $0x11  }
0x5: {  	s9 =	simm.s32 $0x2;
	s5 =	sor.u32 s0, s2;
	s2 =	simm.s32 $0x0  }
0x6: {  	s6 =	ssub.s32 $0x2, s0;
	s0 =	sshll.u32 s0, $0x10;
	s3 =	smul.u32 $0x4D0, s5  }
0x7: {  	[smem:$0x7FF] =	sst s2;
	s8 =	sshrl.u32 s6, $0x1;
	s11 =	sshll.u32 s5, $0xD  }
0x8: {  	s5 =	sadd.s32 $0xA100, s1;
	s0 =	sor.u32 s0, s12;
	s12 =	simm.s32 $0x2680  }
0x9: {  	_ =	strace $0x80000047;
	s6 =	ssub.s32 s6, s8;
	s13 =	sadd.s32 s11, s4  }
0xa: {  	s15 =	sor.u32 $0x8000, s0;
	s18 =	sshrl.u32 s0, $0x3;
	s19 =	sor.u32 $0x200000, s0  }
0xb: {  	s23 =	sor.u32 $0x208000, s0;
	s25 =	sor.u32 $0x400000, s0;
	s0 =	sor.u32 $0x408000, s0  }
0xc: {  	s8 =	simm.s32 $0x1;
	s7 =	sadd.s32 s3, s1;
	s3 =	sadd.s32 $0xA000, s1  }
0xd: {  	s14 =	sadd.s32 $0x12C1000, s13;
	s16 =	sadd.s32 $0x1300000, s13;
	s1 =	sadd.s32 $0x1301000, s13  }
0xe: {  	s17 =	sshrl.u32 s15, $0x3;
	s20 =	sadd.s32 s18, s4;
	s21 =	sshrl.u32 s19, $0x3  }
0xf: {  	s24 =	sshrl.u32 s23, $0x3;
	s0 =	sshrl.u32 s0, $0x3;
	[dreg:$0xb] =	wrdreg s14  }
0x10: {  	s6 =	smax.u32 s6, $0x1;
	s18 =	simm.s32 $0x3680;
	[dreg:$0xc] =	wrdreg s16  }
0x11: {  	s19 =	simm.s32 $0x4680;
	s23 =	simm.s32 $0x8680;
	[dreg:$0xd] =	wrdreg s1  }
0x12: {  	s15 =	simm.s32 $0xB680;
	s7 =	sadd.s32 $0x600, s7;
	[dreg:$0x4] =	wrdreg s20  }
0x13: {  	s1 =	sadd.s32 s17, s4;
	s22 =	sadd.s32 s21, s4;
	[dreg:$0xe] =	wrdreg s6  }
0x14: {  	s0 =	sadd.s32 s0, s4;
	s16 =	simm.s32 $0x2E80;
	s20 =	simm.s32 $0x5680  }
0x15: {  	s21 =	simm.s32 $0x6680;
	s6 =	simm.s32 $0x8E80;
	[dreg:$0x9] =	wrdreg s7  }
0x16: {  	s14 =	simm.s32 $0xAE80;
	s17 =	simm.s32 $0x12680;
	[dreg:$0x3] =	wrdreg s1  }
0x17: {  	s7 =	sadd.s32 $0x12C0000, s13;
	[dreg:$0x5] =	wrdreg s22;
	s1 =	sadd.s32 s24, s4  }
0x18: {  	[dreg:$0x8] =	wrdreg s0;
	s22 =	simm.s32 $0x7680;
	s24 =	simm.s32 $0x9680  }
0x19: {  	s13 =	simm.s32 $0x0;
	[dreg:$0xa] =	wrdreg s7;
	s7 =	sshrl.u32 s25, $0x3  }
0x1a: {  	v2 =	vlaneseq.u32;
	[dreg:$0x6] =	wrdreg s1;
	s1 =	simm.s32 $0x5E80;
	s25 =	simm.s32 $0xBE80  }
0x1b: {  	vm0 =	vmmov $0xffff;
	v1 =	vshrl.u32 v2, $0x3;
	[dreg:$0xf] =	wrdreg s13;
	s26 =	sadd.s32 s7, s4;
	s4 =	simm.s32 $0x7E80  }
0x1c: {  	v0 =	vand.u32 $0x7, v2;
	v2 =	vor.u32 $0x8, v2;
	v1 =	vmul.u32 $0x8, v1;
	s7 =	simm.s32 $0x9E80;
	[dreg:$0x7] =	wrdreg s26;
	s26 =	simm.s32 $0x6E80  }
.LBB2_1:
0x1d: {  	s13 =	rddreg [dreg:$0x9];
	s11 =	simm.s32 $0x7  }
0x1e: {  	[tilespmem:s2], [sflag:$0x7] =	stream.linear.gather [hbm4b:s13+s2], $0x2680, $0x38;
	[tilespmem:$0x1A680] =	vst v63  }
0x1f: {  	_ =	swait.ge [sflag:s11], $0x2680  }
0x20: {  	[sflag:s11] =	ssyncset.done $0x0  }
0x21: {  	[sflag:s11] =	ssyncadd.s32 $0xFFFFD980  }
0x22: {  	v3 =	vld [tilespmem:$0x0];
	_ =	sdelay $0x4  }
0x23: {  	v4 =	vshll.u32 v3, $0x2  }
0x24: {  	v3 =	vand.u32 $0x7, v3;
	v4 =	vand.u32 $0xFFFFFFE0, v4  }
0x25: {  	v3 =	vor.u32 v3, v4  }
0x26: {  	v4 =	vperm.xlane v3, v0;
	_ =	sdelay $0x1  }
0x27: {  	v4 =	vadd.s32 v1, v4;
	_ =	sdelay $0x1  }
0x28: {  	v3 =	vperm.xlane v3, v2;
	_ =	sdelay $0x1  }
0x29: {  	v3 =	vadd.s32 v1, v3  }
0x2a: {  	[tilespmem:s12], [sflag:$0x1] =	stream.indirect_vreg.gather [hbm4b:s3+s2], $0x80, v4, vm0, $0xb8;
	[tilespmem:$0x1A680] =	vst v63  }
0x2b: {  	_ = 	snop  }
0x2c: {  	[tilespmem:s16], [sflag:$0x1] =	stream.indirect_vreg.gather [hbm4b:s5+s2], $0x80, v4, vm0, $0xb8;
	[tilespmem:$0x1A680] =	vst v63  }
0x2d: {  	_ = 	snop  }
0x2e: {  	[tilespmem:s18], [sflag:$0x1] =	stream.indirect_vreg.gather [hbm4b:s3+s2], $0x80, v3, vm0, $0xb8;
	[tilespmem:$0x1A680] =	vst v63  }
0x2f: {  	_ = 	snop  }
0x30: {  	[tilespmem:s30], [sflag:$0x1] =	stream.indirect_vreg.gather [hbm4b:s5+s2], $0x80, v3, vm0, $0xb8;
	[tilespmem:$0x1A680] =	vst v63  }
0x31: {  	v3 =	vld [tilespmem:$0x10];
	_ =	sdelay $0x4  }
0x32: {  	v53 =	vshll.u32 v3, $0x2  }
0x33: {  	v3 =	vand.u32 $0x7, v3;
	v4 =	vand.u32 $0xFFFFFFE0, v53  }
0x34: {  	v3 =	vor.u32 v3, v4  }
0x35: {  	v4 =	vperm.xlane v3, v0;
	_ =	sdelay $0x1  }
0x36: {  	v4 =	vadd.s32 v1, v4;
	_ =	sdelay $0x1  }
0x37: {  	v3 =	vperm.xlane v3, v2;
	_ =	sdelay $0x1  }
0x38: {  	v3 =	vadd.s32 v1, v3  }
0x39: {  	[tilespmem:s19], [sflag:$0x1] =	stream.indirect_vreg.gather [hbm4b:s3+s2], $0x80, v4, vm0, $0xb8;
	[tilespmem:$0x1A680] =	vst v63  }
0x3a: {  	_ = 	snop  }
0x3b: {  	[tilespmem:s31], [sflag:$0x1] =	stream.indirect_vreg.gather [hbm4b:s5+s2], $0x80, v4, vm0, $0xb8;
	[tilespmem:$0x1A680] =	vst v63  }
0x3c: {  	_ = 	snop  }
0x3d: {  	[tilespmem:s20], [sflag:$0x1] =	stream.indirect_vreg.gather [hbm4b:s3+s2], $0x80, v3, vm0, $0xb8;
	[tilespmem:$0x1A680] =	vst v63  }
0x3e: {  	_ = 	snop  }
0x3f: {  	[tilespmem:s1], [sflag:$0x1] =	stream.indirect_vreg.gather [hbm4b:s5+s2], $0x80, v3, vm0, $0xb8;
	[tilespmem:$0x1A680] =	vst v63  }
0x40: {  	v3 =	vld [tilespmem:$0x20];
	_ =	sdelay $0x4  }
0x41: {  	v54 =	vshll.u32 v3, $0x2  }
0x42: {  	v3 =	vand.u32 $0x7, v3;
	v4 =	vand.u32 $0xFFFFFFE0, v54  }
0x43: {  	v3 =	vor.u32 v3, v4  }
0x44: {  	v4 =	vperm.xlane v3, v0;
	_ =	sdelay $0x1  }
0x45: {  	v4 =	vadd.s32 v1, v4;
	_ =	sdelay $0x1  }
0x46: {  	v3 =	vperm.xlane v3, v2;
	_ =	sdelay $0x1  }
0x47: {  	v3 =	vadd.s32 v1, v3  }
0x48: {  	[tilespmem:s21], [sflag:$0x1] =	stream.indirect_vreg.gather [hbm4b:s3+s2], $0x80, v4, vm0, $0xb8;
	[tilespmem:$0x1A680] =	vst v63  }
0x49: {  	_ = 	snop  }
0x4a: {  	[tilespmem:s26], [sflag:$0x1] =	stream.indirect_vreg.gather [hbm4b:s5+s2], $0x80, v4, vm0, $0xb8;
	[tilespmem:$0x1A680] =	vst v63  }
0x4b: {  	_ = 	snop  }
0x4c: {  	[tilespmem:s22], [sflag:$0x1] =	stream.indirect_vreg.gather [hbm4b:s3+s2], $0x80, v3, vm0, $0xb8;
	[tilespmem:$0x1A680] =	vst v63  }
0x4d: {  	_ = 	snop  }
0x4e: {  	[tilespmem:s4], [sflag:$0x1] =	stream.indirect_vreg.gather [hbm4b:s5+s2], $0x80, v3, vm0, $0xb8;
	[tilespmem:$0x1A680] =	vst v63  }
0x4f: {  	v3 =	vld [tilespmem:$0x30];
	_ =	sdelay $0x4  }
0x50: {  	v55 =	vshll.u32 v3, $0x2  }
0x51: {  	v3 =	vand.u32 $0x7, v3;
	v4 =	vand.u32 $0xFFFFFFE0, v55  }
0x52: {  	v3 =	vor.u32 v3, v4  }
0x53: {  	v4 =	vperm.xlane v3, v0;
	_ =	sdelay $0x1  }
0x54: {  	v4 =	vadd.s32 v1, v4;
	_ =	sdelay $0x1  }
0x55: {  	v3 =	vperm.xlane v3, v2;
	_ =	sdelay $0x1  }
0x56: {  	v3 =	vadd.s32 v1, v3  }
0x57: {  	[tilespmem:s23], [sflag:$0x1] =	stream.indirect_vreg.gather [hbm4b:s3+s2], $0x80, v4, vm0, $0xb8;
	[tilespmem:$0x1A680] =	vst v63  }
0x58: {  	_ = 	snop  }
0x59: {  	[tilespmem:s6], [sflag:$0x1] =	stream.indirect_vreg.gather [hbm4b:s5+s2], $0x80, v4, vm0, $0xb8;
	[tilespmem:$0x1A680] =	vst v63  }
0x5a: {  	_ = 	snop  }
0x5b: {  	[tilespmem:s24], [sflag:$0x1] =	stream.indirect_vreg.gather [hbm4b:s3+s2], $0x80, v3, vm0, $0xb8;
	[tilespmem:$0x1A680] =	vst v63  }
0x5c: {  	_ = 	snop  }
0x5d: {  	[tilespmem:s7], [sflag:$0x1] =	stream.indirect_vreg.gather [hbm4b:s5+s2], $0x80, v3, vm0, $0xb8;
	[tilespmem:$0x1A680] =	vst v63  }
0x5e: {  	v3 =	vld [tilespmem:$0x40];
	_ =	sdelay $0x4  }
0x5f: {  	v56 =	vshll.u32 v3, $0x2  }
0x60: {  	v3 =	vand.u32 $0x7, v3;
	v4 =	vand.u32 $0xFFFFFFE0, v56  }
0x61: {  	v3 =	vor.u32 v3, v4  }
0x62: {  	v4 =	vperm.xlane v3, v0;
	_ =	sdelay $0x1  }
0x63: {  	v4 =	vadd.s32 v1, v4;
	_ =	sdelay $0x1  }
0x64: {  	v3 =	vperm.xlane v3, v2;
	_ =	sdelay $0x1  }
0x65: {  	v3 =	vadd.s32 v1, v3  }
0x66: {  	[tilespmem:s29], [sflag:$0x2] =	stream.indirect_vreg.gather [hbm4b:s3+s2], $0x80, v4, vm0, $0xb8;
	[tilespmem:$0x1A680] =	vst v63  }
0x67: {  	_ = 	snop  }
0x68: {  	[tilespmem:s14], [sflag:$0x2] =	stream.indirect_vreg.gather [hbm4b:s5+s2], $0x80, v4, vm0, $0xb8;
	[tilespmem:$0x1A680] =	vst v63  }
0x69: {  	_ = 	snop  }
0x6a: {  	[tilespmem:s15], [sflag:$0x2] =	stream.indirect_vreg.gather [hbm4b:s3+s2], $0x80, v3, vm0, $0xb8;
	[tilespmem:$0x1A680] =	vst v63  }
0x6b: {  	_ = 	snop  }
0x6c: {  	[tilespmem:s25], [sflag:$0x2] =	stream.indirect_vreg.gather [hbm4b:s5+s2], $0x80, v3, vm0, $0xb8;
	[tilespmem:$0x1A680] =	vst v63  }
0x6d: {  	v3 =	vld [tilespmem:$0x50];
	_ =	sdelay $0x4  }
0x6e: {  	v57 =	vshll.u32 v3, $0x2  }
0x6f: {  	v3 =	vand.u32 $0x7, v3;
	v4 =	vand.u32 $0xFFFFFFE0, v57  }
0x70: {  	v3 =	vor.u32 v3, v4  }
0x71: {  	v4 =	vperm.xlane v3, v0;
	_ =	sdelay $0x1  }
0x72: {  	v4 =	vadd.s32 v1, v4;
	_ =	sdelay $0x1  }
0x73: {  	v3 =	vperm.xlane v3, v2;
	_ =	sdelay $0x1  }
0x74: {  	s0 =	simm.s32 $0xC680;
	v3 =	vadd.s32 v1, v3  }
0x75: {  	[tilespmem:s0], [sflag:$0x2] =	stream.indirect_vreg.gather [hbm4b:s3+s2], $0x80, v4, vm0, $0xb8;
	[tilespmem:$0x1A680] =	vst v63  }
0x76: {  	s30 =	simm.s32 $0xCE80  }
0x77: {  	[tilespmem:s30], [sflag:$0x2] =	stream.indirect_vreg.gather [hbm4b:s5+s2], $0x80, v4, vm0, $0xb8;
	[tilespmem:$0x1A680] =	vst v63  }
0x78: {  	s31 =	simm.s32 $0xD680  }
0x79: {  	[tilespmem:s31], [sflag:$0x2] =	stream.indirect_vreg.gather [hbm4b:s3+s2], $0x80, v3, vm0, $0xb8;
	[tilespmem:$0x1A680] =	vst v63  }
0x7a: {  	s1 =	simm.s32 $0xDE80  }
0x7b: {  	[tilespmem:s1], [sflag:$0x2] =	stream.indirect_vreg.gather [hbm4b:s5+s2], $0x80, v3, vm0, $0xb8;
	[tilespmem:$0x1A680] =	vst v63  }
0x7c: {  	v3 =	vld [tilespmem:$0x60];
	_ =	sdelay $0x4  }
0x7d: {  	v58 =	vshll.u32 v3, $0x2  }
0x7e: {  	v3 =	vand.u32 $0x7, v3;
	v4 =	vand.u32 $0xFFFFFFE0, v58  }
0x7f: {  	v3 =	vor.u32 v3, v4  }
0x80: {  	v4 =	vperm.xlane v3, v0;
	_ =	sdelay $0x1  }
0x81: {  	v4 =	vadd.s32 v1, v4;
	_ =	sdelay $0x1  }
0x82: {  	v3 =	vperm.xlane v3, v2;
	_ =	sdelay $0x1  }
0x83: {  	s4 =	simm.s32 $0xE680;
	v3 =	vadd.s32 v1, v3  }
0x84: {  	[tilespmem:s4], [sflag:$0x2] =	stream.indirect_vreg.gather [hbm4b:s3+s2], $0x80, v4, vm0, $0xb8;
	[tilespmem:$0x1A680] =	vst v63  }
0x85: {  	s6 =	simm.s32 $0xEE80  }
0x86: {  	[tilespmem:s6], [sflag:$0x2] =	stream.indirect_vreg.gather [hbm4b:s5+s2], $0x80, v4, vm0, $0xb8;
	[tilespmem:$0x1A680] =	vst v63  }
0x87: {  	s7 =	simm.s32 $0xF680  }
0x88: {  	[tilespmem:s7], [sflag:$0x2] =	stream.indirect_vreg.gather [hbm4b:s3+s2], $0x80, v3, vm0, $0xb8;
	[tilespmem:$0x1A680] =	vst v63  }
0x89: {  	s10 =	simm.s32 $0xFE80  }
0x8a: {  	[tilespmem:s10], [sflag:$0x2] =	stream.indirect_vreg.gather [hbm4b:s5+s2], $0x80, v3, vm0, $0xb8;
	[tilespmem:$0x1A680] =	vst v63  }
0x8b: {  	v3 =	vld [tilespmem:$0x70];
	_ =	sdelay $0x4  }
0x8c: {  	v59 =	vshll.u32 v3, $0x2  }
0x8d: {  	v3 =	vand.u32 $0x7, v3;
	v4 =	vand.u32 $0xFFFFFFE0, v59  }
0x8e: {  	v3 =	vor.u32 v3, v4  }
0x8f: {  	v4 =	vperm.xlane v3, v0;
	_ =	sdelay $0x1  }
0x90: {  	v4 =	vadd.s32 v1, v4;
	_ =	sdelay $0x1  }
0x91: {  	v3 =	vperm.xlane v3, v2;
	_ =	sdelay $0x1  }
0x92: {  	s11 =	simm.s32 $0x10680;
	v3 =	vadd.s32 v1, v3  }
0x93: {  	[tilespmem:s11], [sflag:$0x2] =	stream.indirect_vreg.gather [hbm4b:s3+s2], $0x80, v4, vm0, $0xb8;
	[tilespmem:$0x1A680] =	vst v63  }
0x94: {  	s12 =	simm.s32 $0x10E80  }
0x95: {  	[tilespmem:s12], [sflag:$0x2] =	stream.indirect_vreg.gather [hbm4b:s5+s2], $0x80, v4, vm0, $0xb8;
	[tilespmem:$0x1A680] =	vst v63  }
0x96: {  	s13 =	simm.s32 $0x11680  }
0x97: {  	[tilespmem:s13], [sflag:$0x2] =	stream.indirect_vreg.gather [hbm4b:s3+s2], $0x80, v3, vm0, $0xb8;
	[tilespmem:$0x1A680] =	vst v63  }
0x98: {  	s14 =	simm.s32 $0x11E80  }
0x99: {  	[tilespmem:s14], [sflag:$0x2] =	stream.indirect_vreg.gather [hbm4b:s5+s2], $0x80, v3, vm0, $0xb8;
	[tilespmem:$0x1A680] =	vst v63  }
0x9a: {  	v3 =	vld [tilespmem:$0x80];
	_ =	sdelay $0x4  }
0x9b: {  	v60 =	vshll.u32 v3, $0x2  }
0x9c: {  	v3 =	vand.u32 $0x7, v3;
	v4 =	vand.u32 $0xFFFFFFE0, v60  }
0x9d: {  	v3 =	vor.u32 v3, v4  }
0x9e: {  	v4 =	vperm.xlane v3, v0;
	_ =	sdelay $0x1  }
0x9f: {  	v4 =	vadd.s32 v1, v4;
	_ =	sdelay $0x1  }
0xa0: {  	v3 =	vperm.xlane v3, v2;
	_ =	sdelay $0x1  }
0xa1: {  	v3 =	vadd.s32 v1, v3  }
0xa2: {  	[tilespmem:s17], [sflag:$0x3] =	stream.indirect_vreg.gather [hbm4b:s3+s2], $0x80, v4, vm0, $0xb8;
	[tilespmem:$0x1A680] =	vst v63  }
0xa3: {  	s15 =	simm.s32 $0x12E80  }
0xa4: {  	[tilespmem:s15], [sflag:$0x3] =	stream.indirect_vreg.gather [hbm4b:s5+s2], $0x80, v4, vm0, $0xb8;
	[tilespmem:$0x1A680] =	vst v63  }
0xa5: {  	s16 =	simm.s32 $0x13680  }
0xa6: {  	[tilespmem:s16], [sflag:$0x3] =	stream.indirect_vreg.gather [hbm4b:s3+s2], $0x80, v3, vm0, $0xb8;
	[tilespmem:$0x1A680] =	vst v63  }
0xa7: {  	s17 =	simm.s32 $0x13E80  }
0xa8: {  	[tilespmem:s17], [sflag:$0x3] =	stream.indirect_vreg.gather [hbm4b:s5+s2], $0x80, v3, vm0, $0xb8;
	[tilespmem:$0x1A680] =	vst v63  }
0xa9: {  	v3 =	vld [tilespmem:$0x90];
	_ =	sdelay $0x4  }
0xaa: {  	v61 =	vshll.u32 v3, $0x2  }
0xab: {  	v3 =	vand.u32 $0x7, v3;
	v4 =	vand.u32 $0xFFFFFFE0, v61  }
0xac: {  	v3 =	vor.u32 v3, v4  }
0xad: {  	v4 =	vperm.xlane v3, v0;
	_ =	sdelay $0x1  }
0xae: {  	v4 =	vadd.s32 v1, v4;
	_ =	sdelay $0x1  }
0xaf: {  	v3 =	vperm.xlane v3, v2;
	_ =	sdelay $0x1  }
0xb0: {  	s18 =	simm.s32 $0x14680;
	v3 =	vadd.s32 v1, v3  }
0xb1: {  	[tilespmem:s18], [sflag:$0x3] =	stream.indirect_vreg.gather [hbm4b:s3+s2], $0x80, v4, vm0, $0xb8;
	[tilespmem:$0x1A680] =	vst v63  }
0xb2: {  	s19 =	simm.s32 $0x14E80  }
0xb3: {  	[tilespmem:s19], [sflag:$0x3] =	stream.indirect_vreg.gather [hbm4b:s5+s2], $0x80, v4, vm0, $0xb8;
	[tilespmem:$0x1A680] =	vst v63  }
0xb4: {  	s20 =	simm.s32 $0x15680  }
0xb5: {  	[tilespmem:s20], [sflag:$0x3] =	stream.indirect_vreg.gather [hbm4b:s3+s2], $0x80, v3, vm0, $0xb8;
	[tilespmem:$0x1A680] =	vst v63  }
0xb6: {  	s21 =	simm.s32 $0x15E80  }
0xb7: {  	[tilespmem:s21], [sflag:$0x3] =	stream.indirect_vreg.gather [hbm4b:s5+s2], $0x80, v3, vm0, $0xb8;
	[tilespmem:$0x1A680] =	vst v63  }
0xb8: {  	v3 =	vld [tilespmem:$0xA0];
	_ =	sdelay $0x4  }
0xb9: {  	v62 =	vshll.u32 v3, $0x2  }
0xba: {  	v3 =	vand.u32 $0x7, v3;
	v4 =	vand.u32 $0xFFFFFFE0, v62  }
0xbb: {  	v3 =	vor.u32 v3, v4  }
0xbc: {  	v4 =	vperm.xlane v3, v0;
	_ =	sdelay $0x1  }
0xbd: {  	v4 =	vadd.s32 v1, v4;
	_ =	sdelay $0x1  }
0xbe: {  	v3 =	vperm.xlane v3, v2;
	_ =	sdelay $0x1  }
0xbf: {  	s22 =	simm.s32 $0x16680;
	v3 =	vadd.s32 v1, v3  }
0xc0: {  	[tilespmem:s22], [sflag:$0x3] =	stream.indirect_vreg.gather [hbm4b:s3+s2], $0x80, v4, vm0, $0xb8;
	[tilespmem:$0x1A680] =	vst v63  }
0xc1: {  	s23 =	simm.s32 $0x16E80  }
0xc2: {  	[tilespmem:s23], [sflag:$0x3] =	stream.indirect_vreg.gather [hbm4b:s5+s2], $0x80, v4, vm0, $0xb8;
	[tilespmem:$0x1A680] =	vst v63  }
0xc3: {  	s24 =	simm.s32 $0x17680  }
0xc4: {  	[tilespmem:s24], [sflag:$0x3] =	stream.indirect_vreg.gather [hbm4b:s3+s2], $0x80, v3, vm0, $0xb8;
	[tilespmem:$0x1A680] =	vst v63  }
0xc5: {  	s25 =	simm.s32 $0x17E80  }
0xc6: {  	[tilespmem:s25], [sflag:$0x3] =	stream.indirect_vreg.gather [hbm4b:s5+s2], $0x80, v3, vm0, $0xb8;
	[tilespmem:$0x1A680] =	vst v63  }
0xc7: {  	v3 =	vld [tilespmem:$0xB0];
	_ =	sdelay $0x4  }
0xc8: {  	v63 =	vshll.u32 v3, $0x2  }
0xc9: {  	v3 =	vand.u32 $0x7, v3;
	v4 =	vand.u32 $0xFFFFFFE0, v63  }
0xca: {  	v3 =	vor.u32 v3, v4  }
0xcb: {  	v4 =	vperm.xlane v3, v0;
	_ =	sdelay $0x1  }
0xcc: {  	v4 =	vadd.s32 v1, v4;
	_ =	sdelay $0x1  }
0xcd: {  	v3 =	vperm.xlane v3, v2;
	_ =	sdelay $0x1  }
0xce: {  	s26 =	simm.s32 $0x18680;
	v3 =	vadd.s32 v1, v3  }
0xcf: {  	[tilespmem:s26], [sflag:$0x3] =	stream.indirect_vreg.gather [hbm4b:s3+s2], $0x80, v4, vm0, $0xb8;
	[tilespmem:$0x1A680] =	vst v63  }
0xd0: {  	s29 =	simm.s32 $0x18E80  }
0xd1: {  	[tilespmem:s29], [sflag:$0x3] =	stream.indirect_vreg.gather [hbm4b:s5+s2], $0x80, v4, vm0, $0xb8;
	[tilespmem:$0x1A680] =	vst v63  }
0xd2: {  	s30 =	simm.s32 $0x19680  }
0xd3: {  	[tilespmem:s30], [sflag:$0x3] =	stream.indirect_vreg.gather [hbm4b:s3+s2], $0x80, v3, vm0, $0xb8;
	[tilespmem:$0x1A680] =	vst v63  }
0xd4: {  	s31 =	simm.s32 $0x19E80;
	s13 =	simm.s32 $0x120;
	s14 =	simm.s32 $0x0  }
0xd5: {  	[tilespmem:s31], [sflag:$0x3] =	stream.indirect_vreg.gather [hbm4b:s5+s2], $0x80, v3, vm0, $0xb8;
	[tilespmem:$0x1A680] =	vst v63  }
.LBB2_2:
0xd6: {  	_ =	swait.ge [sflag:s8], $0x8000  }
0xd7: {  	s29 =	simm.s32 $0x2680;
	s15 =	rddreg [dreg:$0x4];
	[sflag:s8] =	ssyncset.done $0x0  }
0xd8: {  	s26 =	simm.s32 $0x4;
	[sflag:s8] =	ssyncadd.s32 $0xFFFF8000;
	s15 =	sadd.s32 s14, s15  }
0xd9: {  	[hbm4b:s15+s2] =	stream.linear.scatter [tilespmem:s29], [sflag:$0x4], $0x8000, $0x38;
	[tilespmem:$0x1A680] =	vst v63  }
0xda: {  	_ =	swait.ge [sflag:s26], $0x8000  }
0xdb: {  	[sflag:s26] =	ssyncset.done $0x0  }
0xdc: {  	[sflag:s26] =	ssyncadd.s32 $0xFFFF8000  }
0xdd: {  	v3 =	vld [tilespmem:s13+$0xFFFFFFA0];
	_ =	sdelay $0x4  }
0xde: {  	v4 =	vshll.u32 v3, $0x2  }
0xdf: {  	v3 =	vand.u32 $0x7, v3;
	v4 =	vand.u32 $0xFFFFFFE0, v4  }
0xe0: {  	v3 =	vor.u32 v3, v4  }
0xe1: {  	v4 =	vperm.xlane v3, v0;
	_ =	sdelay $0x1  }
0xe2: {  	v4 =	vadd.s32 v1, v4;
	_ =	sdelay $0x1  }
0xe3: {  	v3 =	vperm.xlane v3, v2;
	_ =	sdelay $0x1  }
0xe4: {  	v3 =	vadd.s32 v1, v3  }
0xe5: {  	[tilespmem:s29], [sflag:$0x1] =	stream.indirect_vreg.gather [hbm4b:s3+s2], $0x80, v4, vm0, $0xb8;
	[tilespmem:$0x1A680] =	vst v63  }
0xe6: {  	s18 =	simm.s32 $0x2E80  }
0xe7: {  	[tilespmem:s18], [sflag:$0x1] =	stream.indirect_vreg.gather [hbm4b:s5+s2], $0x80, v4, vm0, $0xb8;
	[tilespmem:$0x1A680] =	vst v63  }
0xe8: {  	s30 =	simm.s32 $0x3680  }
0xe9: {  	[tilespmem:s30], [sflag:$0x1] =	stream.indirect_vreg.gather [hbm4b:s3+s2], $0x80, v3, vm0, $0xb8;
	[tilespmem:$0x1A680] =	vst v63  }
0xea: {  	s19 =	simm.s32 $0x3E80  }
0xeb: {  	[tilespmem:s19], [sflag:$0x1] =	stream.indirect_vreg.gather [hbm4b:s5+s2], $0x80, v3, vm0, $0xb8;
	[tilespmem:$0x1A680] =	vst v63  }
0xec: {  	v3 =	vld [tilespmem:s13+$0xFFFFFFB0];
	_ =	sdelay $0x4  }
0xed: {  	v41 =	vshll.u32 v3, $0x2  }
0xee: {  	v3 =	vand.u32 $0x7, v3;
	v4 =	vand.u32 $0xFFFFFFE0, v41  }
0xef: {  	v3 =	vor.u32 v3, v4  }
0xf0: {  	v4 =	vperm.xlane v3, v0;
	_ =	sdelay $0x1  }
0xf1: {  	v4 =	vadd.s32 v1, v4;
	_ =	sdelay $0x1  }
0xf2: {  	v3 =	vperm.xlane v3, v2;
	_ =	sdelay $0x1  }
0xf3: {  	s31 =	simm.s32 $0x4680;
	v3 =	vadd.s32 v1, v3  }
0xf4: {  	[tilespmem:s31], [sflag:$0x1] =	stream.indirect_vreg.gather [hbm4b:s3+s2], $0x80, v4, vm0, $0xb8;
	[tilespmem:$0x1A680] =	vst v63  }
0xf5: {  	s20 =	simm.s32 $0x4E80  }
0xf6: {  	[tilespmem:s20], [sflag:$0x1] =	stream.indirect_vreg.gather [hbm4b:s5+s2], $0x80, v4, vm0, $0xb8;
	[tilespmem:$0x1A680] =	vst v63  }
0xf7: {  	s1 =	simm.s32 $0x5680  }
0xf8: {  	[tilespmem:s1], [sflag:$0x1] =	stream.indirect_vreg.gather [hbm4b:s3+s2], $0x80, v3, vm0, $0xb8;
	[tilespmem:$0x1A680] =	vst v63  }
0xf9: {  	s21 =	simm.s32 $0x5E80  }
0xfa: {  	[tilespmem:s21], [sflag:$0x1] =	stream.indirect_vreg.gather [hbm4b:s5+s2], $0x80, v3, vm0, $0xb8;
	[tilespmem:$0x1A680] =	vst v63  }
0xfb: {  	v3 =	vld [tilespmem:s13+$0xFFFFFFC0];
	_ =	sdelay $0x4  }
0xfc: {  	v42 =	vshll.u32 v3, $0x2  }
0xfd: {  	v3 =	vand.u32 $0x7, v3;
	v4 =	vand.u32 $0xFFFFFFE0, v42  }
0xfe: {  	v3 =	vor.u32 v3, v4  }
0xff: {  	v4 =	vperm.xlane v3, v0;
	_ =	sdelay $0x1  }
0x100: {  	v4 =	vadd.s32 v1, v4;
	_ =	sdelay $0x1  }
0x101: {  	v3 =	vperm.xlane v3, v2;
	_ =	sdelay $0x1  }
0x102: {  	s0 =	simm.s32 $0x6680;
	v3 =	vadd.s32 v1, v3  }
0x103: {  	[tilespmem:s0], [sflag:$0x1] =	stream.indirect_vreg.gather [hbm4b:s3+s2], $0x80, v4, vm0, $0xb8;
	[tilespmem:$0x1A680] =	vst v63  }
0x104: {  	s22 =	simm.s32 $0x6E80  }
0x105: {  	[tilespmem:s22], [sflag:$0x1] =	stream.indirect_vreg.gather [hbm4b:s5+s2], $0x80, v4, vm0, $0xb8;
	[tilespmem:$0x1A680] =	vst v63  }
0x106: {  	s4 =	simm.s32 $0x7680  }
0x107: {  	[tilespmem:s4], [sflag:$0x1] =	stream.indirect_vreg.gather [hbm4b:s3+s2], $0x80, v3, vm0, $0xb8;
	[tilespmem:$0x1A680] =	vst v63  }
0x108: {  	s23 =	simm.s32 $0x7E80  }
0x109: {  	[tilespmem:s23], [sflag:$0x1] =	stream.indirect_vreg.gather [hbm4b:s5+s2], $0x80, v3, vm0, $0xb8;
	[tilespmem:$0x1A680] =	vst v63  }
0x10a: {  	v3 =	vld [tilespmem:s13+$0xFFFFFFD0];
	_ =	sdelay $0x4  }
0x10b: {  	v43 =	vshll.u32 v3, $0x2  }
0x10c: {  	v3 =	vand.u32 $0x7, v3;
	v4 =	vand.u32 $0xFFFFFFE0, v43  }
0x10d: {  	v3 =	vor.u32 v3, v4  }
0x10e: {  	v4 =	vperm.xlane v3, v0;
	_ =	sdelay $0x1  }
0x10f: {  	v4 =	vadd.s32 v1, v4;
	_ =	sdelay $0x1  }
0x110: {  	v3 =	vperm.xlane v3, v2;
	_ =	sdelay $0x1  }
0x111: {  	s6 =	simm.s32 $0x8680;
	v3 =	vadd.s32 v1, v3  }
0x112: {  	[tilespmem:s6], [sflag:$0x1] =	stream.indirect_vreg.gather [hbm4b:s3+s2], $0x80, v4, vm0, $0xb8;
	[tilespmem:$0x1A680] =	vst v63  }
0x113: {  	s24 =	simm.s32 $0x8E80  }
0x114: {  	[tilespmem:s24], [sflag:$0x1] =	stream.indirect_vreg.gather [hbm4b:s5+s2], $0x80, v4, vm0, $0xb8;
	[tilespmem:$0x1A680] =	vst v63  }
0x115: {  	s7 =	simm.s32 $0x9680  }
0x116: {  	[tilespmem:s7], [sflag:$0x1] =	stream.indirect_vreg.gather [hbm4b:s3+s2], $0x80, v3, vm0, $0xb8;
	[tilespmem:$0x1A680] =	vst v63  }
0x117: {  	s25 =	simm.s32 $0x9E80  }
0x118: {  	[tilespmem:s25], [sflag:$0x1] =	stream.indirect_vreg.gather [hbm4b:s5+s2], $0x80, v3, vm0, $0xb8;
	[tilespmem:$0x1A680] =	vst v63  }
0x119: {  	_ =	swait.ge [sflag:s9], $0x8000  }
0x11a: {  	s10 =	rddreg [dreg:$0x3];
	[sflag:s9] =	ssyncset.done $0x0  }
0x11b: {  	s17 =	simm.s32 $0xA680;
	[sflag:s9] =	ssyncadd.s32 $0xFFFF8000;
	s15 =	sadd.s32 s14, s10  }
0x11c: {  	[hbm4b:s15+s2] =	stream.linear.scatter [tilespmem:s17], [sflag:$0x5], $0x8000, $0x38;
	[tilespmem:$0x1A680] =	vst v63  }
0x11d: {  	_ =	swait.ge [sflag:s28], $0x8000  }
0x11e: {  	[sflag:s28] =	ssyncset.done $0x0  }
0x11f: {  	[sflag:s28] =	ssyncadd.s32 $0xFFFF8000  }
0x120: {  	v3 =	vld [tilespmem:s13+$0xFFFFFFE0];
	_ =	sdelay $0x4  }
0x121: {  	v44 =	vshll.u32 v3, $0x2  }
0x122: {  	v3 =	vand.u32 $0x7, v3;
	v4 =	vand.u32 $0xFFFFFFE0, v44  }
0x123: {  	v3 =	vor.u32 v3, v4  }
0x124: {  	v4 =	vperm.xlane v3, v0;
	_ =	sdelay $0x1  }
0x125: {  	v4 =	vadd.s32 v1, v4;
	_ =	sdelay $0x1  }
0x126: {  	v3 =	vperm.xlane v3, v2;
	_ =	sdelay $0x1  }
0x127: {  	v3 =	vadd.s32 v1, v3  }
0x128: {  	[tilespmem:s17], [sflag:$0x2] =	stream.indirect_vreg.gather [hbm4b:s3+s2], $0x80, v4, vm0, $0xb8;
	[tilespmem:$0x1A680] =	vst v63  }
0x129: {  	s11 =	simm.s32 $0xAE80  }
0x12a: {  	[tilespmem:s11], [sflag:$0x2] =	stream.indirect_vreg.gather [hbm4b:s5+s2], $0x80, v4, vm0, $0xb8;
	[tilespmem:$0x1A680] =	vst v63  }
0x12b: {  	s12 =	simm.s32 $0xB680  }
0x12c: {  	[tilespmem:s12], [sflag:$0x2] =	stream.indirect_vreg.gather [hbm4b:s3+s2], $0x80, v3, vm0, $0xb8;
	[tilespmem:$0x1A680] =	vst v63  }
0x12d: {  	s16 =	simm.s32 $0xBE80  }
0x12e: {  	[tilespmem:s16], [sflag:$0x2] =	stream.indirect_vreg.gather [hbm4b:s5+s2], $0x80, v3, vm0, $0xb8;
	[tilespmem:$0x1A680] =	vst v63  }
0x12f: {  	v3 =	vld [tilespmem:s13+$0xFFFFFFF0];
	_ =	sdelay $0x4  }
0x130: {  	v45 =	vshll.u32 v3, $0x2  }
0x131: {  	v3 =	vand.u32 $0x7, v3;
	v4 =	vand.u32 $0xFFFFFFE0, v45  }
0x132: {  	v3 =	vor.u32 v3, v4  }
0x133: {  	v4 =	vperm.xlane v3, v0;
	_ =	sdelay $0x1  }
0x134: {  	v4 =	vadd.s32 v1, v4;
	_ =	sdelay $0x1  }
0x135: {  	v3 =	vperm.xlane v3, v2;
	_ =	sdelay $0x1  }
0x136: {  	s12 =	simm.s32 $0xC680;
	v3 =	vadd.s32 v1, v3  }
0x137: {  	[tilespmem:s12], [sflag:$0x2] =	stream.indirect_vreg.gather [hbm4b:s3+s2], $0x80, v4, vm0, $0xb8;
	[tilespmem:$0x1A680] =	vst v63  }
0x138: {  	s10 =	simm.s32 $0xCE80  }
0x139: {  	[tilespmem:s10], [sflag:$0x2] =	stream.indirect_vreg.gather [hbm4b:s5+s2], $0x80, v4, vm0, $0xb8;
	[tilespmem:$0x1A680] =	vst v63  }
0x13a: {  	s8 =	simm.s32 $0xD680  }
0x13b: {  	[tilespmem:s8], [sflag:$0x2] =	stream.indirect_vreg.gather [hbm4b:s3+s2], $0x80, v3, vm0, $0xb8;
	[tilespmem:$0x1A680] =	vst v63  }
0x13c: {  	s11 =	simm.s32 $0xDE80  }
0x13d: {  	[tilespmem:s11], [sflag:$0x2] =	stream.indirect_vreg.gather [hbm4b:s5+s2], $0x80, v3, vm0, $0xb8;
	[tilespmem:$0x1A680] =	vst v63  }
0x13e: {  	v3 =	vld [tilespmem:s13+$0x0];
	_ =	sdelay $0x4  }
0x13f: {  	v46 =	vshll.u32 v3, $0x2  }
0x140: {  	v3 =	vand.u32 $0x7, v3;
	v4 =	vand.u32 $0xFFFFFFE0, v46  }
0x141: {  	v3 =	vor.u32 v3, v4  }
0x142: {  	v4 =	vperm.xlane v3, v0;
	_ =	sdelay $0x1  }
0x143: {  	v4 =	vadd.s32 v1, v4;
	_ =	sdelay $0x1  }
0x144: {  	v3 =	vperm.xlane v3, v2;
	_ =	sdelay $0x1  }
0x145: {  	s15 =	simm.s32 $0xE680;
	v3 =	vadd.s32 v1, v3  }
0x146: {  	[tilespmem:s15], [sflag:$0x2] =	stream.indirect_vreg.gather [hbm4b:s3+s2], $0x80, v4, vm0, $0xb8;
	[tilespmem:$0x1A680] =	vst v63  }
0x147: {  	s15 =	simm.s32 $0xEE80  }
0x148: {  	[tilespmem:s15], [sflag:$0x2] =	stream.indirect_vreg.gather [hbm4b:s5+s2], $0x80, v4, vm0, $0xb8;
	[tilespmem:$0x1A680] =	vst v63  }
0x149: {  	s15 =	simm.s32 $0xF680  }
0x14a: {  	[tilespmem:s15], [sflag:$0x2] =	stream.indirect_vreg.gather [hbm4b:s3+s2], $0x80, v3, vm0, $0xb8;
	[tilespmem:$0x1A680] =	vst v63  }
0x14b: {  	s15 =	simm.s32 $0xFE80  }
0x14c: {  	[tilespmem:s15], [sflag:$0x2] =	stream.indirect_vreg.gather [hbm4b:s5+s2], $0x80, v3, vm0, $0xb8;
	[tilespmem:$0x1A680] =	vst v63  }
0x14d: {  	v3 =	vld [tilespmem:s13+$0x10];
	_ =	sdelay $0x4  }
0x14e: {  	v47 =	vshll.u32 v3, $0x2  }
0x14f: {  	v3 =	vand.u32 $0x7, v3;
	v4 =	vand.u32 $0xFFFFFFE0, v47  }
0x150: {  	v3 =	vor.u32 v3, v4  }
0x151: {  	v4 =	vperm.xlane v3, v0;
	_ =	sdelay $0x1  }
0x152: {  	v4 =	vadd.s32 v1, v4;
	_ =	sdelay $0x1  }
0x153: {  	v3 =	vperm.xlane v3, v2;
	_ =	sdelay $0x1  }
0x154: {  	s15 =	simm.s32 $0x10680;
	v3 =	vadd.s32 v1, v3  }
0x155: {  	[tilespmem:s15], [sflag:$0x2] =	stream.indirect_vreg.gather [hbm4b:s3+s2], $0x80, v4, vm0, $0xb8;
	[tilespmem:$0x1A680] =	vst v63  }
0x156: {  	s15 =	simm.s32 $0x10E80  }
0x157: {  	[tilespmem:s15], [sflag:$0x2] =	stream.indirect_vreg.gather [hbm4b:s5+s2], $0x80, v4, vm0, $0xb8;
	[tilespmem:$0x1A680] =	vst v63  }
0x158: {  	s15 =	simm.s32 $0x11680  }
0x159: {  	[tilespmem:s15], [sflag:$0x2] =	stream.indirect_vreg.gather [hbm4b:s3+s2], $0x80, v3, vm0, $0xb8;
	[tilespmem:$0x1A680] =	vst v63  }
0x15a: {  	s9 =	simm.s32 $0x3;
	s15 =	simm.s32 $0x11E80  }
0x15b: {  	[tilespmem:s15], [sflag:$0x2] =	stream.indirect_vreg.gather [hbm4b:s5+s2], $0x80, v3, vm0, $0xb8;
	[tilespmem:$0x1A680] =	vst v63  }
0x15c: {  	_ =	swait.ge [sflag:s9], $0x8000  }
0x15d: {  	[sflag:s9] =	ssyncset.done $0x0  }
0x15e: {  	s0 =	rddreg [dreg:$0x5];
	[sflag:s9] =	ssyncadd.s32 $0xFFFF8000  }
0x15f: {  	s15 =	sadd.s32 s14, s0;
	s9 =	simm.s32 $0x12680;
	s0 =	simm.s32 $0x6  }
0x160: {  	[hbm4b:s15+s2] =	stream.linear.scatter [tilespmem:s9], [sflag:$0x6], $0x8000, $0x38;
	[tilespmem:$0x1A680] =	vst v63  }
0x161: {  	_ =	swait.ge [sflag:s0], $0x8000  }
0x162: {  	[sflag:s0] =	ssyncset.done $0x0  }
0x163: {  	[sflag:s0] =	ssyncadd.s32 $0xFFFF8000  }
0x164: {  	v3 =	vld [tilespmem:s13+$0x20];
	_ =	sdelay $0x4  }
0x165: {  	v48 =	vshll.u32 v3, $0x2  }
0x166: {  	v3 =	vand.u32 $0x7, v3;
	v4 =	vand.u32 $0xFFFFFFE0, v48  }
0x167: {  	v3 =	vor.u32 v3, v4  }
0x168: {  	v4 =	vperm.xlane v3, v0;
	_ =	sdelay $0x1  }
0x169: {  	v4 =	vadd.s32 v1, v4;
	_ =	sdelay $0x1  }
0x16a: {  	v3 =	vperm.xlane v3, v2;
	_ =	sdelay $0x1  }
0x16b: {  	v3 =	vadd.s32 v1, v3  }
0x16c: {  	[tilespmem:s9], [sflag:$0x3] =	stream.indirect_vreg.gather [hbm4b:s3+s2], $0x80, v4, vm0, $0xb8;
	[tilespmem:$0x1A680] =	vst v63  }
0x16d: {  	s15 =	simm.s32 $0x12E80  }
0x16e: {  	[tilespmem:s15], [sflag:$0x3] =	stream.indirect_vreg.gather [hbm4b:s5+s2], $0x80, v4, vm0, $0xb8;
	[tilespmem:$0x1A680] =	vst v63  }
0x16f: {  	s15 =	simm.s32 $0x13680  }
0x170: {  	[tilespmem:s15], [sflag:$0x3] =	stream.indirect_vreg.gather [hbm4b:s3+s2], $0x80, v3, vm0, $0xb8;
	[tilespmem:$0x1A680] =	vst v63  }
0x171: {  	s15 =	simm.s32 $0x13E80  }
0x172: {  	[tilespmem:s15], [sflag:$0x3] =	stream.indirect_vreg.gather [hbm4b:s5+s2], $0x80, v3, vm0, $0xb8;
	[tilespmem:$0x1A680] =	vst v63  }
0x173: {  	v3 =	vld [tilespmem:s13+$0x30];
	_ =	sdelay $0x4  }
0x174: {  	v49 =	vshll.u32 v3, $0x2  }
0x175: {  	v3 =	vand.u32 $0x7, v3;
	v4 =	vand.u32 $0xFFFFFFE0, v49  }
0x176: {  	v3 =	vor.u32 v3, v4  }
0x177: {  	v4 =	vperm.xlane v3, v0;
	_ =	sdelay $0x1  }
0x178: {  	v4 =	vadd.s32 v1, v4;
	_ =	sdelay $0x1  }
0x179: {  	v3 =	vperm.xlane v3, v2;
	_ =	sdelay $0x1  }
0x17a: {  	s15 =	simm.s32 $0x14680;
	v3 =	vadd.s32 v1, v3  }
0x17b: {  	[tilespmem:s15], [sflag:$0x3] =	stream.indirect_vreg.gather [hbm4b:s3+s2], $0x80, v4, vm0, $0xb8;
	[tilespmem:$0x1A680] =	vst v63  }
0x17c: {  	s15 =	simm.s32 $0x14E80  }
0x17d: {  	[tilespmem:s15], [sflag:$0x3] =	stream.indirect_vreg.gather [hbm4b:s5+s2], $0x80, v4, vm0, $0xb8;
	[tilespmem:$0x1A680] =	vst v63  }
0x17e: {  	s15 =	simm.s32 $0x15680  }
0x17f: {  	[tilespmem:s15], [sflag:$0x3] =	stream.indirect_vreg.gather [hbm4b:s3+s2], $0x80, v3, vm0, $0xb8;
	[tilespmem:$0x1A680] =	vst v63  }
0x180: {  	s15 =	simm.s32 $0x15E80  }
0x181: {  	[tilespmem:s15], [sflag:$0x3] =	stream.indirect_vreg.gather [hbm4b:s5+s2], $0x80, v3, vm0, $0xb8;
	[tilespmem:$0x1A680] =	vst v63  }
0x182: {  	v3 =	vld [tilespmem:s13+$0x40];
	_ =	sdelay $0x4  }
0x183: {  	v50 =	vshll.u32 v3, $0x2  }
0x184: {  	v3 =	vand.u32 $0x7, v3;
	v4 =	vand.u32 $0xFFFFFFE0, v50  }
0x185: {  	v3 =	vor.u32 v3, v4  }
0x186: {  	v4 =	vperm.xlane v3, v0;
	_ =	sdelay $0x1  }
0x187: {  	v4 =	vadd.s32 v1, v4;
	_ =	sdelay $0x1  }
0x188: {  	v3 =	vperm.xlane v3, v2;
	_ =	sdelay $0x1  }
0x189: {  	s15 =	simm.s32 $0x16680;
	v3 =	vadd.s32 v1, v3  }
0x18a: {  	[tilespmem:s15], [sflag:$0x3] =	stream.indirect_vreg.gather [hbm4b:s3+s2], $0x80, v4, vm0, $0xb8;
	[tilespmem:$0x1A680] =	vst v63  }
0x18b: {  	s15 =	simm.s32 $0x16E80  }
0x18c: {  	[tilespmem:s15], [sflag:$0x3] =	stream.indirect_vreg.gather [hbm4b:s5+s2], $0x80, v4, vm0, $0xb8;
	[tilespmem:$0x1A680] =	vst v63  }
0x18d: {  	s15 =	simm.s32 $0x17680  }
0x18e: {  	[tilespmem:s15], [sflag:$0x3] =	stream.indirect_vreg.gather [hbm4b:s3+s2], $0x80, v3, vm0, $0xb8;
	[tilespmem:$0x1A680] =	vst v63  }
0x18f: {  	s15 =	simm.s32 $0x17E80  }
0x190: {  	[tilespmem:s15], [sflag:$0x3] =	stream.indirect_vreg.gather [hbm4b:s5+s2], $0x80, v3, vm0, $0xb8;
	[tilespmem:$0x1A680] =	vst v63  }
0x191: {  	v3 =	vld [tilespmem:s13+$0x50];
	_ =	sdelay $0x4  }
0x192: {  	v51 =	vshll.u32 v3, $0x2  }
0x193: {  	v3 =	vand.u32 $0x7, v3;
	v4 =	vand.u32 $0xFFFFFFE0, v51  }
0x194: {  	v3 =	vor.u32 v3, v4  }
0x195: {  	v4 =	vperm.xlane v3, v0;
	_ =	sdelay $0x1  }
0x196: {  	v4 =	vadd.s32 v1, v4;
	_ =	sdelay $0x1  }
0x197: {  	v3 =	vperm.xlane v3, v2;
	_ =	sdelay $0x1  }
0x198: {  	s15 =	simm.s32 $0x18680;
	v3 =	vadd.s32 v1, v3  }
0x199: {  	[tilespmem:s15], [sflag:$0x3] =	stream.indirect_vreg.gather [hbm4b:s3+s2], $0x80, v4, vm0, $0xb8;
	[tilespmem:$0x1A680] =	vst v63  }
0x19a: {  	s15 =	simm.s32 $0x18E80  }
0x19b: {  	[tilespmem:s15], [sflag:$0x3] =	stream.indirect_vreg.gather [hbm4b:s5+s2], $0x80, v4, vm0, $0xb8;
	[tilespmem:$0x1A680] =	vst v63  }
0x19c: {  	s15 =	simm.s32 $0x19680  }
0x19d: {  	[tilespmem:s15], [sflag:$0x3] =	stream.indirect_vreg.gather [hbm4b:s3+s2], $0x80, v3, vm0, $0xb8;
	[tilespmem:$0x1A680] =	vst v63  }
0x19e: {  	s16 =	simm.s32 $0x1;
	s15 =	simm.s32 $0x19E80  }
0x19f: {  	[tilespmem:s15], [sflag:$0x3] =	stream.indirect_vreg.gather [hbm4b:s5+s2], $0x80, v3, vm0, $0xb8;
	[tilespmem:$0x1A680] =	vst v63  }
0x1a0: {  	_ =	swait.ge [sflag:s16], $0x8000  }
0x1a1: {  	s15 =	rddreg [dreg:$0x6];
	[sflag:s16] =	ssyncset.done $0x0  }
0x1a2: {  	[sflag:s16] =	ssyncadd.s32 $0xFFFF8000;
	s15 =	sadd.s32 s14, s15  }
0x1a3: {  	[hbm4b:s15+s2] =	stream.linear.scatter [tilespmem:s29], [sflag:$0x4], $0x8000, $0x38;
	[tilespmem:$0x1A680] =	vst v63  }
0x1a4: {  	_ =	swait.ge [sflag:s26], $0x8000  }
0x1a5: {  	[sflag:s26] =	ssyncset.done $0x0  }
0x1a6: {  	[sflag:s26] =	ssyncadd.s32 $0xFFFF8000  }
0x1a7: {  	v3 =	vld [tilespmem:s13+$0x60];
	_ =	sdelay $0x4  }
0x1a8: {  	v52 =	vshll.u32 v3, $0x2  }
0x1a9: {  	v3 =	vand.u32 $0x7, v3;
	v4 =	vand.u32 $0xFFFFFFE0, v52  }
0x1aa: {  	v3 =	vor.u32 v3, v4  }
0x1ab: {  	v4 =	vperm.xlane v3, v0;
	_ =	sdelay $0x1  }
0x1ac: {  	v4 =	vadd.s32 v1, v4;
	_ =	sdelay $0x1  }
0x1ad: {  	v3 =	vperm.xlane v3, v2;
	_ =	sdelay $0x1  }
0x1ae: {  	v3 =	vadd.s32 v1, v3  }
0x1af: {  	[tilespmem:s29], [sflag:$0x1] =	stream.indirect_vreg.gather [hbm4b:s3+s2], $0x80, v4, vm0, $0xb8;
	[tilespmem:$0x1A680] =	vst v63  }
0x1b0: {  	_ = 	snop  }
0x1b1: {  	[tilespmem:s18], [sflag:$0x1] =	stream.indirect_vreg.gather [hbm4b:s5+s2], $0x80, v4, vm0, $0xb8;
	[tilespmem:$0x1A680] =	vst v63  }
0x1b2: {  	_ = 	snop  }
0x1b3: {  	[tilespmem:s30], [sflag:$0x1] =	stream.indirect_vreg.gather [hbm4b:s3+s2], $0x80, v3, vm0, $0xb8;
	[tilespmem:$0x1A680] =	vst v63  }
0x1b4: {  	_ = 	snop  }
0x1b5: {  	[tilespmem:s19], [sflag:$0x1] =	stream.indirect_vreg.gather [hbm4b:s5+s2], $0x80, v3, vm0, $0xb8;
	[tilespmem:$0x1A680] =	vst v63  }
0x1b6: {  	v3 =	vld [tilespmem:s13+$0x70];
	_ =	sdelay $0x4  }
0x1b7: {  	v53 =	vshll.u32 v3, $0x2  }
0x1b8: {  	v3 =	vand.u32 $0x7, v3;
	v4 =	vand.u32 $0xFFFFFFE0, v53  }
0x1b9: {  	v3 =	vor.u32 v3, v4  }
0x1ba: {  	v4 =	vperm.xlane v3, v0;
	_ =	sdelay $0x1  }
0x1bb: {  	v4 =	vadd.s32 v1, v4;
	_ =	sdelay $0x1  }
0x1bc: {  	v3 =	vperm.xlane v3, v2;
	_ =	sdelay $0x1  }
0x1bd: {  	v3 =	vadd.s32 v1, v3  }
0x1be: {  	[tilespmem:s31], [sflag:$0x1] =	stream.indirect_vreg.gather [hbm4b:s3+s2], $0x80, v4, vm0, $0xb8;
	[tilespmem:$0x1A680] =	vst v63  }
0x1bf: {  	_ = 	snop  }
0x1c0: {  	[tilespmem:s20], [sflag:$0x1] =	stream.indirect_vreg.gather [hbm4b:s5+s2], $0x80, v4, vm0, $0xb8;
	[tilespmem:$0x1A680] =	vst v63  }
0x1c1: {  	_ = 	snop  }
0x1c2: {  	[tilespmem:s1], [sflag:$0x1] =	stream.indirect_vreg.gather [hbm4b:s3+s2], $0x80, v3, vm0, $0xb8;
	[tilespmem:$0x1A680] =	vst v63  }
0x1c3: {  	_ = 	snop  }
0x1c4: {  	[tilespmem:s21], [sflag:$0x1] =	stream.indirect_vreg.gather [hbm4b:s5+s2], $0x80, v3, vm0, $0xb8;
	[tilespmem:$0x1A680] =	vst v63  }
0x1c5: {  	v3 =	vld [tilespmem:s13+$0x80];
	_ =	sdelay $0x4  }
0x1c6: {  	v54 =	vshll.u32 v3, $0x2  }
0x1c7: {  	v3 =	vand.u32 $0x7, v3;
	v4 =	vand.u32 $0xFFFFFFE0, v54  }
0x1c8: {  	v3 =	vor.u32 v3, v4  }
0x1c9: {  	v4 =	vperm.xlane v3, v0;
	_ =	sdelay $0x1  }
0x1ca: {  	v4 =	vadd.s32 v1, v4;
	_ =	sdelay $0x1  }
0x1cb: {  	v3 =	vperm.xlane v3, v2;
	_ =	sdelay $0x1  }
0x1cc: {  	s26 =	simm.s32 $0x6680;
	v3 =	vadd.s32 v1, v3  }
0x1cd: {  	[tilespmem:s26], [sflag:$0x1] =	stream.indirect_vreg.gather [hbm4b:s3+s2], $0x80, v4, vm0, $0xb8;
	[tilespmem:$0x1A680] =	vst v63  }
0x1ce: {  	_ = 	snop  }
0x1cf: {  	[tilespmem:s22], [sflag:$0x1] =	stream.indirect_vreg.gather [hbm4b:s5+s2], $0x80, v4, vm0, $0xb8;
	[tilespmem:$0x1A680] =	vst v63  }
0x1d0: {  	_ = 	snop  }
0x1d1: {  	[tilespmem:s4], [sflag:$0x1] =	stream.indirect_vreg.gather [hbm4b:s3+s2], $0x80, v3, vm0, $0xb8;
	[tilespmem:$0x1A680] =	vst v63  }
0x1d2: {  	_ = 	snop  }
0x1d3: {  	[tilespmem:s23], [sflag:$0x1] =	stream.indirect_vreg.gather [hbm4b:s5+s2], $0x80, v3, vm0, $0xb8;
	[tilespmem:$0x1A680] =	vst v63  }
0x1d4: {  	v3 =	vld [tilespmem:s13+$0x90];
	_ =	sdelay $0x4  }
0x1d5: {  	v55 =	vshll.u32 v3, $0x2  }
0x1d6: {  	v3 =	vand.u32 $0x7, v3;
	v4 =	vand.u32 $0xFFFFFFE0, v55  }
0x1d7: {  	v3 =	vor.u32 v3, v4  }
0x1d8: {  	v4 =	vperm.xlane v3, v0;
	_ =	sdelay $0x1  }
0x1d9: {  	v4 =	vadd.s32 v1, v4;
	_ =	sdelay $0x1  }
0x1da: {  	v3 =	vperm.xlane v3, v2;
	_ =	sdelay $0x1  }
0x1db: {  	v3 =	vadd.s32 v1, v3  }
0x1dc: {  	[tilespmem:s6], [sflag:$0x1] =	stream.indirect_vreg.gather [hbm4b:s3+s2], $0x80, v4, vm0, $0xb8;
	[tilespmem:$0x1A680] =	vst v63  }
0x1dd: {  	_ = 	snop  }
0x1de: {  	[tilespmem:s24], [sflag:$0x1] =	stream.indirect_vreg.gather [hbm4b:s5+s2], $0x80, v4, vm0, $0xb8;
	[tilespmem:$0x1A680] =	vst v63  }
0x1df: {  	_ = 	snop  }
0x1e0: {  	[tilespmem:s7], [sflag:$0x1] =	stream.indirect_vreg.gather [hbm4b:s3+s2], $0x80, v3, vm0, $0xb8;
	[tilespmem:$0x1A680] =	vst v63  }
0x1e1: {  	s28 =	simm.s32 $0x2  }
0x1e2: {  	[tilespmem:s25], [sflag:$0x1] =	stream.indirect_vreg.gather [hbm4b:s5+s2], $0x80, v3, vm0, $0xb8;
	[tilespmem:$0x1A680] =	vst v63  }
0x1e3: {  	_ =	swait.ge [sflag:s28], $0x8000  }
0x1e4: {  	s15 =	rddreg [dreg:$0x7];
	[sflag:s28] =	ssyncset.done $0x0  }
0x1e5: {  	[sflag:s28] =	ssyncadd.s32 $0xFFFF8000;
	s28 =	simm.s32 $0x5;
	s15 =	sadd.s32 s14, s15  }
0x1e6: {  	[hbm4b:s15+s2] =	stream.linear.scatter [tilespmem:s17], [sflag:$0x5], $0x8000, $0x38;
	[tilespmem:$0x1A680] =	vst v63  }
0x1e7: {  	_ =	swait.ge [sflag:s28], $0x8000  }
0x1e8: {  	[sflag:s28] =	ssyncset.done $0x0  }
0x1e9: {  	[sflag:s28] =	ssyncadd.s32 $0xFFFF8000  }
0x1ea: {  	v3 =	vld [tilespmem:s13+$0xA0];
	_ =	sdelay $0x4  }
0x1eb: {  	v56 =	vshll.u32 v3, $0x2  }
0x1ec: {  	v3 =	vand.u32 $0x7, v3;
	v4 =	vand.u32 $0xFFFFFFE0, v56  }
0x1ed: {  	v3 =	vor.u32 v3, v4  }
0x1ee: {  	v4 =	vperm.xlane v3, v0;
	_ =	sdelay $0x1  }
0x1ef: {  	v4 =	vadd.s32 v1, v4;
	_ =	sdelay $0x1  }
0x1f0: {  	v3 =	vperm.xlane v3, v2;
	_ =	sdelay $0x1  }
0x1f1: {  	v3 =	vadd.s32 v1, v3  }
0x1f2: {  	[tilespmem:s17], [sflag:$0x2] =	stream.indirect_vreg.gather [hbm4b:s3+s2], $0x80, v4, vm0, $0xb8;
	[tilespmem:$0x1A680] =	vst v63  }
0x1f3: {  	s17 =	simm.s32 $0xAE80  }
0x1f4: {  	[tilespmem:s17], [sflag:$0x2] =	stream.indirect_vreg.gather [hbm4b:s5+s2], $0x80, v4, vm0, $0xb8;
	[tilespmem:$0x1A680] =	vst v63  }
0x1f5: {  	s17 =	simm.s32 $0xB680  }
0x1f6: {  	[tilespmem:s17], [sflag:$0x2] =	stream.indirect_vreg.gather [hbm4b:s3+s2], $0x80, v3, vm0, $0xb8;
	[tilespmem:$0x1A680] =	vst v63  }
0x1f7: {  	s25 =	simm.s32 $0xBE80  }
0x1f8: {  	[tilespmem:s25], [sflag:$0x2] =	stream.indirect_vreg.gather [hbm4b:s5+s2], $0x80, v3, vm0, $0xb8;
	[tilespmem:$0x1A680] =	vst v63  }
0x1f9: {  	v3 =	vld [tilespmem:s13+$0xB0];
	_ =	sdelay $0x4  }
0x1fa: {  	v57 =	vshll.u32 v3, $0x2  }
0x1fb: {  	v3 =	vand.u32 $0x7, v3;
	v4 =	vand.u32 $0xFFFFFFE0, v57  }
0x1fc: {  	v3 =	vor.u32 v3, v4  }
0x1fd: {  	v4 =	vperm.xlane v3, v0;
	_ =	sdelay $0x1  }
0x1fe: {  	v4 =	vadd.s32 v1, v4;
	_ =	sdelay $0x1  }
0x1ff: {  	v3 =	vperm.xlane v3, v2;
	_ =	sdelay $0x1  }
0x200: {  	v3 =	vadd.s32 v1, v3  }
0x201: {  	[tilespmem:s12], [sflag:$0x2] =	stream.indirect_vreg.gather [hbm4b:s3+s2], $0x80, v4, vm0, $0xb8;
	[tilespmem:$0x1A680] =	vst v63  }
0x202: {  	_ = 	snop  }
0x203: {  	[tilespmem:s10], [sflag:$0x2] =	stream.indirect_vreg.gather [hbm4b:s5+s2], $0x80, v4, vm0, $0xb8;
	[tilespmem:$0x1A680] =	vst v63  }
0x204: {  	_ = 	snop  }
0x205: {  	[tilespmem:s8], [sflag:$0x2] =	stream.indirect_vreg.gather [hbm4b:s3+s2], $0x80, v3, vm0, $0xb8;
	[tilespmem:$0x1A680] =	vst v63  }
0x206: {  	_ = 	snop  }
0x207: {  	[tilespmem:s11], [sflag:$0x2] =	stream.indirect_vreg.gather [hbm4b:s5+s2], $0x80, v3, vm0, $0xb8;
	[tilespmem:$0x1A680] =	vst v63  }
0x208: {  	v3 =	vld [tilespmem:s13+$0xC0];
	_ =	sdelay $0x4  }
0x209: {  	v58 =	vshll.u32 v3, $0x2  }
0x20a: {  	v3 =	vand.u32 $0x7, v3;
	v4 =	vand.u32 $0xFFFFFFE0, v58  }
0x20b: {  	v3 =	vor.u32 v3, v4  }
0x20c: {  	v4 =	vperm.xlane v3, v0;
	_ =	sdelay $0x1  }
0x20d: {  	v4 =	vadd.s32 v1, v4;
	_ =	sdelay $0x1  }
0x20e: {  	v3 =	vperm.xlane v3, v2;
	_ =	sdelay $0x1  }
0x20f: {  	s12 =	simm.s32 $0xE680;
	v3 =	vadd.s32 v1, v3  }
0x210: {  	[tilespmem:s12], [sflag:$0x2] =	stream.indirect_vreg.gather [hbm4b:s3+s2], $0x80, v4, vm0, $0xb8;
	[tilespmem:$0x1A680] =	vst v63  }
0x211: {  	s15 =	simm.s32 $0xEE80  }
0x212: {  	[tilespmem:s15], [sflag:$0x2] =	stream.indirect_vreg.gather [hbm4b:s5+s2], $0x80, v4, vm0, $0xb8;
	[tilespmem:$0x1A680] =	vst v63  }
0x213: {  	s17 =	simm.s32 $0xF680  }
0x214: {  	[tilespmem:s17], [sflag:$0x2] =	stream.indirect_vreg.gather [hbm4b:s3+s2], $0x80, v3, vm0, $0xb8;
	[tilespmem:$0x1A680] =	vst v63  }
0x215: {  	s12 =	simm.s32 $0xFE80  }
0x216: {  	[tilespmem:s12], [sflag:$0x2] =	stream.indirect_vreg.gather [hbm4b:s5+s2], $0x80, v3, vm0, $0xb8;
	[tilespmem:$0x1A680] =	vst v63  }
0x217: {  	v3 =	vld [tilespmem:s13+$0xD0];
	_ =	sdelay $0x4  }
0x218: {  	v59 =	vshll.u32 v3, $0x2  }
0x219: {  	v3 =	vand.u32 $0x7, v3;
	v4 =	vand.u32 $0xFFFFFFE0, v59  }
0x21a: {  	v3 =	vor.u32 v3, v4  }
0x21b: {  	v4 =	vperm.xlane v3, v0;
	_ =	sdelay $0x1  }
0x21c: {  	v4 =	vadd.s32 v1, v4;
	_ =	sdelay $0x1  }
0x21d: {  	v3 =	vperm.xlane v3, v2;
	_ =	sdelay $0x1  }
0x21e: {  	s15 =	simm.s32 $0x10680;
	v3 =	vadd.s32 v1, v3  }
0x21f: {  	[tilespmem:s15], [sflag:$0x2] =	stream.indirect_vreg.gather [hbm4b:s3+s2], $0x80, v4, vm0, $0xb8;
	[tilespmem:$0x1A680] =	vst v63  }
0x220: {  	s17 =	simm.s32 $0x10E80  }
0x221: {  	[tilespmem:s17], [sflag:$0x2] =	stream.indirect_vreg.gather [hbm4b:s5+s2], $0x80, v4, vm0, $0xb8;
	[tilespmem:$0x1A680] =	vst v63  }
0x222: {  	s12 =	simm.s32 $0x11680  }
0x223: {  	[tilespmem:s12], [sflag:$0x2] =	stream.indirect_vreg.gather [hbm4b:s3+s2], $0x80, v3, vm0, $0xb8;
	[tilespmem:$0x1A680] =	vst v63  }
0x224: {  	s10 =	simm.s32 $0x3;
	s15 =	simm.s32 $0x11E80  }
0x225: {  	[tilespmem:s15], [sflag:$0x2] =	stream.indirect_vreg.gather [hbm4b:s5+s2], $0x80, v3, vm0, $0xb8;
	[tilespmem:$0x1A680] =	vst v63  }
0x226: {  	_ =	swait.ge [sflag:s10], $0x8000  }
0x227: {  	s17 =	rddreg [dreg:$0x8];
	[sflag:s10] =	ssyncset.done $0x0  }
0x228: {  	[sflag:s10] =	ssyncadd.s32 $0xFFFF8000;
	s15 =	sadd.s32 s14, s17  }
0x229: {  	[hbm4b:s15+s2] =	stream.linear.scatter [tilespmem:s9], [sflag:$0x6], $0x8000, $0x38;
	[tilespmem:$0x1A680] =	vst v63  }
0x22a: {  	_ =	swait.ge [sflag:s0], $0x8000  }
0x22b: {  	[sflag:s0] =	ssyncset.done $0x0  }
0x22c: {  	[sflag:s0] =	ssyncadd.s32 $0xFFFF8000  }
0x22d: {  	v3 =	vld [tilespmem:s13+$0xE0];
	_ =	sdelay $0x4  }
0x22e: {  	v60 =	vshll.u32 v3, $0x2  }
0x22f: {  	v3 =	vand.u32 $0x7, v3;
	v4 =	vand.u32 $0xFFFFFFE0, v60  }
0x230: {  	v3 =	vor.u32 v3, v4  }
0x231: {  	v4 =	vperm.xlane v3, v0;
	_ =	sdelay $0x1  }
0x232: {  	v4 =	vadd.s32 v1, v4;
	_ =	sdelay $0x1  }
0x233: {  	v3 =	vperm.xlane v3, v2;
	_ =	sdelay $0x1  }
0x234: {  	v3 =	vadd.s32 v1, v3  }
0x235: {  	[tilespmem:s9], [sflag:$0x3] =	stream.indirect_vreg.gather [hbm4b:s3+s2], $0x80, v4, vm0, $0xb8;
	[tilespmem:$0x1A680] =	vst v63  }
0x236: {  	s11 =	simm.s32 $0x12E80  }
0x237: {  	[tilespmem:s11], [sflag:$0x3] =	stream.indirect_vreg.gather [hbm4b:s5+s2], $0x80, v4, vm0, $0xb8;
	[tilespmem:$0x1A680] =	vst v63  }
0x238: {  	s12 =	simm.s32 $0x13680  }
0x239: {  	[tilespmem:s12], [sflag:$0x3] =	stream.indirect_vreg.gather [hbm4b:s3+s2], $0x80, v3, vm0, $0xb8;
	[tilespmem:$0x1A680] =	vst v63  }
0x23a: {  	s15 =	simm.s32 $0x13E80  }
0x23b: {  	[tilespmem:s15], [sflag:$0x3] =	stream.indirect_vreg.gather [hbm4b:s5+s2], $0x80, v3, vm0, $0xb8;
	[tilespmem:$0x1A680] =	vst v63  }
0x23c: {  	v3 =	vld [tilespmem:s13+$0xF0];
	_ =	sdelay $0x4  }
0x23d: {  	v61 =	vshll.u32 v3, $0x2  }
0x23e: {  	v3 =	vand.u32 $0x7, v3;
	v4 =	vand.u32 $0xFFFFFFE0, v61  }
0x23f: {  	v3 =	vor.u32 v3, v4  }
0x240: {  	v4 =	vperm.xlane v3, v0;
	_ =	sdelay $0x1  }
0x241: {  	v4 =	vadd.s32 v1, v4;
	_ =	sdelay $0x1  }
0x242: {  	v3 =	vperm.xlane v3, v2;
	_ =	sdelay $0x1  }
0x243: {  	s11 =	simm.s32 $0x14680;
	v3 =	vadd.s32 v1, v3  }
0x244: {  	[tilespmem:s11], [sflag:$0x3] =	stream.indirect_vreg.gather [hbm4b:s3+s2], $0x80, v4, vm0, $0xb8;
	[tilespmem:$0x1A680] =	vst v63  }
0x245: {  	s12 =	simm.s32 $0x14E80  }
0x246: {  	[tilespmem:s12], [sflag:$0x3] =	stream.indirect_vreg.gather [hbm4b:s5+s2], $0x80, v4, vm0, $0xb8;
	[tilespmem:$0x1A680] =	vst v63  }
0x247: {  	s15 =	simm.s32 $0x15680  }
0x248: {  	[tilespmem:s15], [sflag:$0x3] =	stream.indirect_vreg.gather [hbm4b:s3+s2], $0x80, v3, vm0, $0xb8;
	[tilespmem:$0x1A680] =	vst v63  }
0x249: {  	s11 =	simm.s32 $0x15E80  }
0x24a: {  	[tilespmem:s11], [sflag:$0x3] =	stream.indirect_vreg.gather [hbm4b:s5+s2], $0x80, v3, vm0, $0xb8;
	[tilespmem:$0x1A680] =	vst v63  }
0x24b: {  	v3 =	vld [tilespmem:s13+$0x100];
	_ =	sdelay $0x4  }
0x24c: {  	v62 =	vshll.u32 v3, $0x2  }
0x24d: {  	v3 =	vand.u32 $0x7, v3;
	v4 =	vand.u32 $0xFFFFFFE0, v62  }
0x24e: {  	v3 =	vor.u32 v3, v4  }
0x24f: {  	v4 =	vperm.xlane v3, v0;
	_ =	sdelay $0x1  }
0x250: {  	v4 =	vadd.s32 v1, v4;
	_ =	sdelay $0x1  }
0x251: {  	v3 =	vperm.xlane v3, v2;
	_ =	sdelay $0x1  }
0x252: {  	s12 =	simm.s32 $0x16680;
	v3 =	vadd.s32 v1, v3  }
0x253: {  	[tilespmem:s12], [sflag:$0x3] =	stream.indirect_vreg.gather [hbm4b:s3+s2], $0x80, v4, vm0, $0xb8;
	[tilespmem:$0x1A680] =	vst v63  }
0x254: {  	s15 =	simm.s32 $0x16E80  }
0x255: {  	[tilespmem:s15], [sflag:$0x3] =	stream.indirect_vreg.gather [hbm4b:s5+s2], $0x80, v4, vm0, $0xb8;
	[tilespmem:$0x1A680] =	vst v63  }
0x256: {  	s11 =	simm.s32 $0x17680  }
0x257: {  	[tilespmem:s11], [sflag:$0x3] =	stream.indirect_vreg.gather [hbm4b:s3+s2], $0x80, v3, vm0, $0xb8;
	[tilespmem:$0x1A680] =	vst v63  }
0x258: {  	s12 =	simm.s32 $0x17E80  }
0x259: {  	[tilespmem:s12], [sflag:$0x3] =	stream.indirect_vreg.gather [hbm4b:s5+s2], $0x80, v3, vm0, $0xb8;
	[tilespmem:$0x1A680] =	vst v63  }
0x25a: {  	v3 =	vld [tilespmem:s13+$0x110];
	_ =	sdelay $0x4  }
0x25b: {  	v63 =	vshll.u32 v3, $0x2  }
0x25c: {  	v3 =	vand.u32 $0x7, v3;
	v4 =	vand.u32 $0xFFFFFFE0, v63  }
0x25d: {  	v3 =	vor.u32 v3, v4  }
0x25e: {  	v4 =	vperm.xlane v3, v0;
	_ =	sdelay $0x1  }
0x25f: {  	p0 =	sne.s32 s14, $0x1200000;
	s16 =	simm.s32 $0x2E80;
	s29 =	simm.s32 $0xA680;
	v4 =	vadd.s32 v1, v4  }
0x260: {  	s18 =	simm.s32 $0x3680;
	s30 =	simm.s32 $0x3E80;
	s19 =	simm.s32 $0x4680  }
0x261: {  	s31 =	simm.s32 $0x4E80;
	s20 =	simm.s32 $0x5680;
	s1 =	simm.s32 $0x5E80  }
0x262: {  	s21 =	simm.s32 $0x6680;
	s26 =	simm.s32 $0x6E80;
	s22 =	simm.s32 $0x7680;
	v3 =	vperm.xlane v3, v2  }
0x263: {  	s4 =	simm.s32 $0x7E80;
	s23 =	simm.s32 $0x8680;
	s15 =	simm.s32 $0x18680  }
0x264: {  	v3 =	vadd.s32 v1, v3;
	[tilespmem:s15], [sflag:$0x3] =	stream.indirect_vreg.gather [hbm4b:s3+s2], $0x80, v4, vm0, $0xb8;
	[tilespmem:$0x1A680] =	vst v63  }
0x265: {  	s6 =	simm.s32 $0x8E80;
	s24 =	simm.s32 $0x9680;
	s11 =	simm.s32 $0x18E80  }
0x266: {  	[tilespmem:s11], [sflag:$0x3] =	stream.indirect_vreg.gather [hbm4b:s5+s2], $0x80, v4, vm0, $0xb8;
	[tilespmem:$0x1A680] =	vst v63  }
.Ltmp0:
0x267: {  	s7 =	simm.s32 $0x9E80;
	s8 =	simm.s32 $0x1;
	(pc) =	sbr.rel @p0 .LBB2_2-.Ltmp0, $4  }
0x268: {  	s17 =	simm.s32 $0x12680;
	s14 =	sadd.s32 $0xC0000, s14;
	s12 =	simm.s32 $0x19680  }
0x269: {  	[tilespmem:s12], [sflag:$0x3] =	stream.indirect_vreg.gather [hbm4b:s3+s2], $0x80, v3, vm0, $0xb8;
	[tilespmem:$0x1A680] =	vst v63  }
0x26a: {  	s9 =	simm.s32 $0x2;
	s13 =	sadd.s32 $0x180, s13;
	s15 =	simm.s32 $0x19E80  }
0x26b: {  	[tilespmem:s15], [sflag:$0x3] =	stream.indirect_vreg.gather [hbm4b:s5+s2], $0x80, v3, vm0, $0xb8;
	[tilespmem:$0x1A680] =	vst v63  }
0x26c: {  	_ =	swait.ge [sflag:s8], $0x8000  }
0x26d: {  	s14 =	simm.s32 $0x2680;
	[sflag:s8] =	ssyncset.done $0x0  }
0x26e: {  	s11 =	simm.s32 $0x4;
	s13 =	rddreg [dreg:$0xa];
	[sflag:s8] =	ssyncadd.s32 $0xFFFF8000  }
0x26f: {  	[hbm4b:s13+s2] =	stream.linear.scatter [tilespmem:s14], [sflag:$0x4], $0x8000, $0x38;
	[tilespmem:$0x1A680] =	vst v63  }
0x270: {  	_ =	swait.ge [sflag:s11], $0x8000  }
0x271: {  	[sflag:s11] =	ssyncset.done $0x0  }
0x272: {  	[sflag:s11] =	ssyncadd.s32 $0xFFFF8000  }
0x273: {  	v3 =	vld [tilespmem:$0x2640];
	_ =	sdelay $0x4  }
0x274: {  	v4 =	vshll.u32 v3, $0x2  }
0x275: {  	v3 =	vand.u32 $0x7, v3;
	v4 =	vand.u32 $0xFFFFFFE0, v4  }
0x276: {  	v3 =	vor.u32 v3, v4  }
0x277: {  	v4 =	vperm.xlane v3, v0;
	_ =	sdelay $0x1  }
0x278: {  	v4 =	vadd.s32 v1, v4;
	_ =	sdelay $0x1  }
0x279: {  	v3 =	vperm.xlane v3, v2;
	_ =	sdelay $0x1  }
0x27a: {  	v3 =	vadd.s32 v1, v3  }
0x27b: {  	[tilespmem:s14], [sflag:$0x1] =	stream.indirect_vreg.gather [hbm4b:s3+s2], $0x80, v4, vm0, $0xb8;
	[tilespmem:$0x1A680] =	vst v63  }
0x27c: {  	_ = 	snop  }
0x27d: {  	[tilespmem:s16], [sflag:$0x1] =	stream.indirect_vreg.gather [hbm4b:s5+s2], $0x80, v4, vm0, $0xb8;
	[tilespmem:$0x1A680] =	vst v63  }
0x27e: {  	_ = 	snop  }
0x27f: {  	[tilespmem:s18], [sflag:$0x1] =	stream.indirect_vreg.gather [hbm4b:s3+s2], $0x80, v3, vm0, $0xb8;
	[tilespmem:$0x1A680] =	vst v63  }
0x280: {  	_ = 	snop  }
0x281: {  	[tilespmem:s30], [sflag:$0x1] =	stream.indirect_vreg.gather [hbm4b:s5+s2], $0x80, v3, vm0, $0xb8;
	[tilespmem:$0x1A680] =	vst v63  }
0x282: {  	v3 =	vld [tilespmem:$0x2650];
	_ =	sdelay $0x4  }
0x283: {  	v61 =	vshll.u32 v3, $0x2  }
0x284: {  	v3 =	vand.u32 $0x7, v3;
	v4 =	vand.u32 $0xFFFFFFE0, v61  }
0x285: {  	v3 =	vor.u32 v3, v4  }
0x286: {  	v4 =	vperm.xlane v3, v0;
	_ =	sdelay $0x1  }
0x287: {  	v4 =	vadd.s32 v1, v4;
	_ =	sdelay $0x1  }
0x288: {  	v3 =	vperm.xlane v3, v2;
	_ =	sdelay $0x1  }
0x289: {  	v3 =	vadd.s32 v1, v3  }
0x28a: {  	[tilespmem:s19], [sflag:$0x1] =	stream.indirect_vreg.gather [hbm4b:s3+s2], $0x80, v4, vm0, $0xb8;
	[tilespmem:$0x1A680] =	vst v63  }
0x28b: {  	_ = 	snop  }
0x28c: {  	[tilespmem:s31], [sflag:$0x1] =	stream.indirect_vreg.gather [hbm4b:s5+s2], $0x80, v4, vm0, $0xb8;
	[tilespmem:$0x1A680] =	vst v63  }
0x28d: {  	_ = 	snop  }
0x28e: {  	[tilespmem:s20], [sflag:$0x1] =	stream.indirect_vreg.gather [hbm4b:s3+s2], $0x80, v3, vm0, $0xb8;
	[tilespmem:$0x1A680] =	vst v63  }
0x28f: {  	_ = 	snop  }
0x290: {  	[tilespmem:s1], [sflag:$0x1] =	stream.indirect_vreg.gather [hbm4b:s5+s2], $0x80, v3, vm0, $0xb8;
	[tilespmem:$0x1A680] =	vst v63  }
0x291: {  	v3 =	vld [tilespmem:$0x2660];
	_ =	sdelay $0x4  }
0x292: {  	v62 =	vshll.u32 v3, $0x2  }
0x293: {  	v3 =	vand.u32 $0x7, v3;
	v4 =	vand.u32 $0xFFFFFFE0, v62  }
0x294: {  	v3 =	vor.u32 v3, v4  }
0x295: {  	v4 =	vperm.xlane v3, v0;
	_ =	sdelay $0x1  }
0x296: {  	v4 =	vadd.s32 v1, v4;
	_ =	sdelay $0x1  }
0x297: {  	v3 =	vperm.xlane v3, v2;
	_ =	sdelay $0x1  }
0x298: {  	v3 =	vadd.s32 v1, v3  }
0x299: {  	[tilespmem:s21], [sflag:$0x1] =	stream.indirect_vreg.gather [hbm4b:s3+s2], $0x80, v4, vm0, $0xb8;
	[tilespmem:$0x1A680] =	vst v63  }
0x29a: {  	_ = 	snop  }
0x29b: {  	[tilespmem:s26], [sflag:$0x1] =	stream.indirect_vreg.gather [hbm4b:s5+s2], $0x80, v4, vm0, $0xb8;
	[tilespmem:$0x1A680] =	vst v63  }
0x29c: {  	_ = 	snop  }
0x29d: {  	[tilespmem:s22], [sflag:$0x1] =	stream.indirect_vreg.gather [hbm4b:s3+s2], $0x80, v3, vm0, $0xb8;
	[tilespmem:$0x1A680] =	vst v63  }
0x29e: {  	_ = 	snop  }
0x29f: {  	[tilespmem:s4], [sflag:$0x1] =	stream.indirect_vreg.gather [hbm4b:s5+s2], $0x80, v3, vm0, $0xb8;
	[tilespmem:$0x1A680] =	vst v63  }
0x2a0: {  	v3 =	vld [tilespmem:$0x2670];
	_ =	sdelay $0x4  }
0x2a1: {  	v63 =	vshll.u32 v3, $0x2  }
0x2a2: {  	v3 =	vand.u32 $0x7, v3;
	v4 =	vand.u32 $0xFFFFFFE0, v63  }
0x2a3: {  	v3 =	vor.u32 v3, v4  }
0x2a4: {  	v4 =	vperm.xlane v3, v0;
	_ =	sdelay $0x1  }
0x2a5: {  	v4 =	vadd.s32 v1, v4;
	_ =	sdelay $0x1  }
0x2a6: {  	v3 =	vperm.xlane v3, v2;
	_ =	sdelay $0x1  }
0x2a7: {  	v3 =	vadd.s32 v1, v3  }
0x2a8: {  	[tilespmem:s23], [sflag:$0x1] =	stream.indirect_vreg.gather [hbm4b:s3+s2], $0x80, v4, vm0, $0xb8;
	[tilespmem:$0x1A680] =	vst v63  }
0x2a9: {  	_ = 	snop  }
0x2aa: {  	[tilespmem:s6], [sflag:$0x1] =	stream.indirect_vreg.gather [hbm4b:s5+s2], $0x80, v4, vm0, $0xb8;
	[tilespmem:$0x1A680] =	vst v63  }
0x2ab: {  	_ = 	snop  }
0x2ac: {  	[tilespmem:s24], [sflag:$0x1] =	stream.indirect_vreg.gather [hbm4b:s3+s2], $0x80, v3, vm0, $0xb8;
	[tilespmem:$0x1A680] =	vst v63  }
0x2ad: {  	_ = 	snop  }
0x2ae: {  	[tilespmem:s7], [sflag:$0x1] =	stream.indirect_vreg.gather [hbm4b:s5+s2], $0x80, v3, vm0, $0xb8;
	[tilespmem:$0x1A680] =	vst v63  }
0x2af: {  	_ =	swait.ge [sflag:s9], $0x8000  }
0x2b0: {  	[sflag:s9] =	ssyncset.done $0x0  }
0x2b1: {  	s15 =	rddreg [dreg:$0xb];
	[sflag:s9] =	ssyncadd.s32 $0xFFFF8000  }
0x2b2: {  	[hbm4b:s15+s2] =	stream.linear.scatter [tilespmem:s29], [sflag:$0x5], $0x8000, $0x38;
	[tilespmem:$0x1A680] =	vst v63  }
0x2b3: {  	_ =	swait.ge [sflag:s28], $0x8000  }
0x2b4: {  	[sflag:s28] =	ssyncset.done $0x0  }
0x2b5: {  	[sflag:s28] =	ssyncadd.s32 $0xFFFF8000  }
0x2b6: {  	_ =	swait.ge [sflag:s10], $0x8000  }
0x2b7: {  	[sflag:s10] =	ssyncset.done $0x0  }
0x2b8: {  	s0 =	rddreg [dreg:$0xc];
	[sflag:s10] =	ssyncadd.s32 $0xFFFF8000  }
0x2b9: {  	[hbm4b:s0+s2] =	stream.linear.scatter [tilespmem:s17], [sflag:$0x6], $0x8000, $0x38;
	[tilespmem:$0x1A680] =	vst v63  }
0x2ba: {  	s0 =	simm.s32 $0x6  }
0x2bb: {  	_ =	swait.ge [sflag:s0], $0x8000  }
0x2bc: {  	[sflag:s0] =	ssyncset.done $0x0  }
0x2bd: {  	[sflag:s0] =	ssyncadd.s32 $0xFFFF8000  }
0x2be: {  	_ =	swait.ge [sflag:s8], $0x8000  }
0x2bf: {  	[sflag:s8] =	ssyncset.done $0x0  }
0x2c0: {  	s10 =	rddreg [dreg:$0xd];
	[sflag:s8] =	ssyncadd.s32 $0xFFFF8000  }
0x2c1: {  	[hbm4b:s10+s2] =	stream.linear.scatter [tilespmem:s14], [sflag:$0x4], $0x8000, $0x38;
	[tilespmem:$0x1A680] =	vst v63  }
0x2c2: {  	_ =	swait.ge [sflag:s11], $0x8000  }
0x2c3: {  	s13 =	rddreg [dreg:$0xf]  }
0x2c4: {  	s15 =	rddreg [dreg:$0xe];
	s14 =	sadd.s32 $0x1, s13  }
0x2c5: {  	p0 =	sne.s32 s14, s15  }
.Ltmp1:
0x2c6: {  	_ = 	snop;
	(pc) =	sbr.rel @p0 .LBB2_1-.Ltmp1, $4  }
0x2c7: {  	_ = 	snop  }
0x2c8: {  	[sflag:s11] =	ssyncset.done $0x0  }
0x2c9: {  	s12 =	simm.s32 $0x2680;
	[sflag:s11] =	ssyncadd.s32 $0xFFFF8000  }
0x2ca: {  	[dreg:$0xf] =	wrdreg s14;
	s14 =	simm.s32 $0xAE80;
	s15 =	simm.s32 $0xB680  }
0x2cb: {  	_ =	sfence.sel $0x180000  }
0x2cc: {  	[bflag:$0x0] =	sbarrier.arrive $0xFFFF  }
0x2cd: {  	_ =	strace $0x90000047  }
0x2ce: {  	s0 =	stileid.u32;
	[bflag:$0x2] =	sbarrier.arrive $0xFFFF  }
0x2cf: {  	p0 =	sne.s32 s0, $0x0;
	s0 =	rddreg [dreg:$0x2]  }
0x2d0: {  	s0 =	sadd.s32 @!p0 $0x100000, s0  }
0x2d1: {  	[sflag:s0] =	ssyncadd.tile.s32 @!p0 $0x1;
	_ =	shalt  }
.Lfunc_end2:
_tile_overlayer_lowered:
.L_overlay_start_2:
0x2d2: {  	(tag) =	ssettag $0x2  }
0x2d3: {  	s0 =	rddreg [dreg:$0x0];
	s2 =	stileid.u32  }
0x2d4: {  	s1 =	rddreg [dreg:$0x1];
	p0 =	sne.s32 s2, $0x0  }
0x2d5: {  	s3 =	rddreg [dreg:$0x2];
	[bflag:$0x3] =	sbarrier.arrive $0xFFFF;
	s2 =	simm.s32 @!p0 $0x1C07  }
0x2d6: {  	[timem:s3], [sflag:s2] =	dma.local @!p0 [hbm:s0], s1  }
0x2d7: {  	s0 =	simm.s32 @!p0 $0x7  }
0x2d8: {  	_ =	swait.ge @!p0 [sflag:s0], s1  }
0x2d9: {  	s1 =	ssub.s32 @!p0 $0x0, s1;
	[sflag:s0] =	ssyncset.done @!p0 $0x0  }
0x2da: {  	[sflag:s0] =	ssyncadd.s32 @!p0 s1  }
0x2db: {  	[bflag:$0x3] =	sbarrier.arrive $0xFFFF  }
0x2dc: {  	_ =	shalt  }

</sc_bundles>
